<compile_context>
chip_gen: v7x
topology: tpu7x:2x2x1
jax: 0.10.2.dev20260603
libtpu: 0.0.44.dev20260713+nightly
codegen_flags: <defaults>
</compile_context>

<pallas_src>
import functools

import jax
import jax.numpy as jnp
from jax import lax
from jax.experimental import pallas as pl
from jax.experimental.pallas import tpu as pltpu
from jax.experimental.pallas import tpu_sc as plsc

V = 1_000_000
D = 64
B = 16384
NEG = 20

NC = 2
NS = 16
L = 16
NW = NC * NS
BPW = B // NW
C = 64
NCHUNK = BPW // C
NEG_PAD = 24

_mesh = plsc.VectorSubcoreMesh(core_axis_name="c", subcore_axis_name="s")

_GATHER_DNUMS = lax.GatherDimensionNumbers(
    offset_dims=(), collapsed_slice_dims=(0,), start_index_map=(0,))


def _rot(x, sh):
    perm = (lax.iota(jnp.int32, L) + sh) % L
    return lax.gather(x, perm[:, None], _GATHER_DNUMS, (1,),
                      mode=lax.GatherScatterMode.PROMISE_IN_BOUNDS)


def _allsum(x):
    for sh in (8, 4, 2, 1):
        x = x + _rot(x, sh)
    return x


@functools.partial(
    pl.kernel,
    out_type=(
        jax.ShapeDtypeStruct((B,), jnp.float32),
        jax.ShapeDtypeStruct((B,), jnp.float32),
    ),
    mesh=_mesh,
    scratch_types=(
        pltpu.VMEM((C,), jnp.int32),
        pltpu.VMEM((C,), jnp.int32),
        pltpu.VMEM((NEG_PAD, BPW), jnp.int32),
        pltpu.VMEM((C, D), jnp.float32),
        pltpu.VMEM((C, D), jnp.float32),
        pltpu.VMEM((NEG, C, D), jnp.float32),
        pltpu.VMEM((BPW,), jnp.float32),
        pltpu.VMEM((BPW,), jnp.float32),
        pltpu.SemaphoreType.DMA,
        pltpu.SemaphoreType.DMA,
    ),
    compiler_params=pltpu.CompilerParams(use_tc_tiling_on_sc=False),
)
def _sc_scores(tgt_hbm, ctx_hbm, neg_hbm, in_emb, out_emb,
               spos_hbm, sneg_hbm,
               tgt_idx, ctx_idx, neg_idx, v_rows, u_rows, neg_rows,
               spos, sneg, sem, sem2):
    wid = lax.axis_index("s") * NC + lax.axis_index("c")
    base = wid * BPW

    pltpu.sync_copy(neg_hbm.at[:, pl.ds(base, BPW)], neg_idx)

    @pl.loop(0, NCHUNK)
    def _chunk(c):
        off = base + c * C
        pltpu.sync_copy(tgt_hbm.at[pl.ds(off, C)], tgt_idx)
        pltpu.sync_copy(ctx_hbm.at[pl.ds(off, C)], ctx_idx)

        copies = [
            pltpu.async_copy(in_emb.at[tgt_idx], v_rows, sem2),
            pltpu.async_copy(out_emb.at[ctx_idx], u_rows, sem2),
        ]
        for n in range(NEG):
            copies.append(pltpu.async_copy(
                out_emb.at[neg_idx.at[n, pl.ds(c * C, C)]],
                neg_rows.at[n], sem))
        for cp in copies:
            cp.wait()

        lane = lax.iota(jnp.int32, L)
        zero = jnp.zeros((L,), jnp.float32)

        @pl.loop(0, C, init_carry=(zero, zero))
        def _b(b, carry):
            res_p, res_n = carry
            vs = [v_rows[b, pl.ds(k * L, L)] for k in range(D // L)]
            us = [u_rows[b, pl.ds(k * L, L)] for k in range(D // L)]
            pos = vs[0] * us[0]
            for k in range(1, D // L):
                pos = pos + vs[k] * us[k]
            accs = [neg_rows[0, b, pl.ds(k * L, L)] for k in range(D // L)]
            for n in range(1, NEG):
                accs = [accs[k] + neg_rows[n, b, pl.ds(k * L, L)]
                        for k in range(D // L)]
            negv = accs[0] * vs[0]
            for k in range(1, D // L):
                negv = negv + accs[k] * vs[k]
            m = lane == (b & (L - 1))
            res_p = jnp.where(m, _allsum(pos), res_p)
            res_n = jnp.where(m, _allsum(negv), res_n)

            @pl.when((b & (L - 1)) == (L - 1))
            def _store():
                spos[pl.ds(c * C + b - (L - 1), L)] = res_p
                sneg[pl.ds(c * C + b - (L - 1), L)] = res_n

            return res_p, res_n

    pltpu.sync_copy(spos, spos_hbm.at[pl.ds(base, BPW)])
    pltpu.sync_copy(sneg, sneg_hbm.at[pl.ds(base, BPW)])


def _tc_loss_body(spos_ref, sneg_ref, out_ref):
    sp = spos_ref[...]
    sn = sneg_ref[...]
    ls_p = jnp.minimum(sp, 0.0) - jnp.log1p(jnp.exp(-jnp.abs(sp)))
    ls_n = jnp.minimum(-sn, 0.0) - jnp.log1p(jnp.exp(-jnp.abs(sn)))
    loss = -(jnp.sum(ls_p) + jnp.sum(ls_n)) / B
    out_ref[...] = jnp.broadcast_to(loss, (1, 1))


_tc_loss = pl.pallas_call(
    _tc_loss_body,
    out_shape=jax.ShapeDtypeStruct((1, 1), jnp.float32),
)


def kernel(target_input, context, neg, input_emb, output_emb):
    tgt = target_input.astype(jnp.int32)
    ctx = context.astype(jnp.int32)
    negt = jnp.pad(neg.astype(jnp.int32).T, ((0, NEG_PAD - NEG), (0, 0)))
    spos, sneg = _sc_scores(tgt, ctx, negt, input_emb, output_emb)
    loss = _tc_loss(spos.reshape(128, 128), sneg.reshape(128, 128))
    return loss[0, 0]

# --- scband reference (transcript-rebuilt; emitter-appended) ---
"""Pipeline reference for scband-skip-gram-neg-15822659518708 (READ-ONLY COPY).

The authoritative reference and input builder live on the scoring server;
editing this copy changes nothing except your own understanding.
"""

import jax, jax.numpy as jnp
import numpy as np

V = 1000000
D = 64
B = 16384
NEG = 20

def setup_inputs(seed: int = 0) -> dict:
    key = jax.random.key(seed)
    k1, k2, k3, k4, k5 = jax.random.split(key, 5)
    target_input = jax.random.randint(k1, (B,), 0, V, dtype=jnp.int64) if jax.config.jax_enable_x64 else jax.random.randint(k1, (B,), 0, V).astype(jnp.int32)
    context = jax.random.randint(k2, (B,), 0, V).astype(target_input.dtype)
    neg = jax.random.randint(k3, (B, NEG), 0, V).astype(target_input.dtype)
    initrange = (2.0 / (V + D)) ** 0.5
    input_emb = jax.random.uniform(k4, (V, D), minval=-initrange, maxval=initrange, dtype=jnp.float32)
    # NOTE: original torch init sets output_emb to zeros; we use small uniform so
    # forward/backward values are non-degenerate while math stays identical.
    output_emb = jax.random.uniform(k5, (V, D), minval=-initrange, maxval=initrange, dtype=jnp.float32)
    return {"target_input": target_input, "context": context, "neg": neg,
            "input_emb": input_emb, "output_emb": output_emb}

def reference(target_input, context, neg, input_emb, output_emb):
    v = jnp.take(input_emb, target_input, axis=0)            # [B, D]
    u = jnp.take(output_emb, context, axis=0)                # [B, D]
    positive_val = jax.nn.log_sigmoid(jnp.sum(u * v, axis=1))  # [B]
    u_hat = jnp.take(output_emb, neg, axis=0)                # [B, NEG, D]
    neg_vals = jnp.einsum('bnd,bd->bn', u_hat, v)            # bmm(u_hat, v.unsqueeze(2)).squeeze(2)
    neg_val = jax.nn.log_sigmoid(-jnp.sum(neg_vals, axis=1))  # [B]
    loss = positive_val + neg_val
    return -jnp.mean(loss)

if __name__ == "__main__":
    import jax
    _d = setup_inputs()
    print(jax.jit(kernel)(*tuple(_d.values())))

</pallas_src>

<mosaic_0001>
#map = affine_map<(d0, d1) -> (0)>
#map1 = affine_map<(d0, d1) -> (0, 0)>
module attributes {stable_mosaic.version = 14 : i64} {
  func.func @_sc_scores(%arg0: i32, %arg1: i32, %arg2: memref<16384xi32, #tpu.memory_space<hbm>>, %arg3: memref<16384xi32, #tpu.memory_space<hbm>>, %arg4: memref<24x16384xi32, #tpu.memory_space<hbm>>, %arg5: memref<1000000x64xf32, #tpu.memory_space<hbm>>, %arg6: memref<1000000x64xf32, #tpu.memory_space<hbm>>, %arg7: memref<16384xf32, #tpu.memory_space<hbm>>, %arg8: memref<16384xf32, #tpu.memory_space<hbm>>, %arg9: memref<64xi32, #tpu.memory_space<vmem>>, %arg10: memref<64xi32, #tpu.memory_space<vmem>>, %arg11: memref<24x512xi32, #tpu.memory_space<vmem>>, %arg12: memref<64x64xf32, #tpu.memory_space<vmem>>, %arg13: memref<64x64xf32, #tpu.memory_space<vmem>>, %arg14: memref<20x64x64xf32, #tpu.memory_space<vmem>>, %arg15: memref<512xf32, #tpu.memory_space<vmem>>, %arg16: memref<512xf32, #tpu.memory_space<vmem>>, %arg17: memref<!tpu.dma_semaphore, #tpu.memory_space<semaphore_mem>>, %arg18: memref<!tpu.dma_semaphore, #tpu.memory_space<semaphore_mem>>) attributes {dimension_semantics = [#tpu.dimension_semantics<core_parallel>, #tpu.dimension_semantics<subcore_parallel>], iteration_bounds = array<i64: 2, 16>, scalar_prefetch = 0 : i64, scratch_operands = 10 : i64, tpu.core_type = #tpu.core_type<sc_vector_subcore>, window_params = [{transform_indices = #map}, {transform_indices = #map}, {transform_indices = #map1}, {transform_indices = #map1}, {transform_indices = #map1}, {transform_indices = #map}, {transform_indices = #map}]} {
    %mul3A = arith.constant 2 : i32
    %mul3A_0 = arith.muli %arg1, %mul3A : i32
    %add3A = arith.addi %mul3A_0, %arg0 : i32
    %mul3A_1 = arith.constant 512 : i32
    %mul3A_2 = arith.muli %add3A, %mul3A_1 : i32
    "tpu.region"() ({
      %run_scoped3A = tpu.sem_alloc : memref<!tpu.dma_semaphore, #tpu.memory_space<semaphore_mem>>
      %dma_start3A = arith.constant 0 : i32
      %dma_start3A_7 = tpu.memref_slice %arg4[%dma_start3A, %mul3A_2] : memref<24x16384xi32, #tpu.memory_space<hbm>> -> memref<24x512xi32, #tpu.memory_space<hbm>>
      %dma_start3A_8 = arith.constant 0 : i32
      %dma_start3A_9 = tpu.memref_slice %arg4[%dma_start3A_8, %mul3A_2] : memref<24x16384xi32, #tpu.memory_space<hbm>> -> memref<24x512xi32, #tpu.memory_space<hbm>>
      tpu.enqueue_dma source(%dma_start3A_9 : memref<24x512xi32, #tpu.memory_space<hbm>>) target(%arg11 : memref<24x512xi32, #tpu.memory_space<vmem>>) target_semaphore(%run_scoped3A : memref<!tpu.dma_semaphore, #tpu.memory_space<semaphore_mem>>)
      %dma_wait3A = arith.constant 0 : i32
      %dma_wait3A_10 = tpu.memref_slice %arg4[%dma_wait3A, %mul3A_2] : memref<24x16384xi32, #tpu.memory_space<hbm>> -> memref<24x512xi32, #tpu.memory_space<hbm>>
      %dma_wait3A_11 = arith.constant 0 : i32
      %dma_wait3A_12 = tpu.memref_slice %arg4[%dma_wait3A_11, %mul3A_2] : memref<24x16384xi32, #tpu.memory_space<hbm>> -> memref<24x512xi32, #tpu.memory_space<hbm>>
      tpu.wait_dma2 semaphore(%run_scoped3A : memref<!tpu.dma_semaphore, #tpu.memory_space<semaphore_mem>>) src(%dma_wait3A_12 : memref<24x512xi32, #tpu.memory_space<hbm>>) dst(%arg11 : memref<24x512xi32, #tpu.memory_space<vmem>>)
      tpu.yield
    }) : () -> ()
    %scan3A = arith.constant 0 : i32
    %scan3A_3 = arith.constant 8 : i32
    %scan3A_4 = arith.addi %scan3A, %scan3A_3 : i32
    %scan3A_5 = arith.constant 1 : i32
    scf.for %scan3A_7 = %scan3A to %scan3A_4 step %scan3A_5  : i32 {
      %mul3A_8 = arith.constant 1 : i32
      %mul3A_9 = arith.muli %scan3A_7, %mul3A_8 : i32
      %add3A_10 = arith.constant 0 : i32
      %add3A_11 = arith.addi %add3A_10, %mul3A_9 : i32
      %mul3A_12 = arith.constant 64 : i32
      %mul3A_13 = arith.muli %add3A_11, %mul3A_12 : i32
      %add3A_14 = arith.addi %mul3A_2, %mul3A_13 : i32
      "tpu.region"() ({
        %run_scoped3A = tpu.sem_alloc : memref<!tpu.dma_semaphore, #tpu.memory_space<semaphore_mem>>
        %dma_start3A_512 = tpu.memref_slice %arg2[%add3A_14] : memref<16384xi32, #tpu.memory_space<hbm>> -> memref<64xi32, #tpu.memory_space<hbm>>
        %dma_start3A_513 = tpu.memref_slice %arg2[%add3A_14] : memref<16384xi32, #tpu.memory_space<hbm>> -> memref<64xi32, #tpu.memory_space<hbm>>
        tpu.enqueue_dma source(%dma_start3A_513 : memref<64xi32, #tpu.memory_space<hbm>>) target(%arg9 : memref<64xi32, #tpu.memory_space<vmem>>) target_semaphore(%run_scoped3A : memref<!tpu.dma_semaphore, #tpu.memory_space<semaphore_mem>>)
        %dma_wait3A_514 = tpu.memref_slice %arg2[%add3A_14] : memref<16384xi32, #tpu.memory_space<hbm>> -> memref<64xi32, #tpu.memory_space<hbm>>
        %dma_wait3A_515 = tpu.memref_slice %arg2[%add3A_14] : memref<16384xi32, #tpu.memory_space<hbm>> -> memref<64xi32, #tpu.memory_space<hbm>>
        tpu.wait_dma2 semaphore(%run_scoped3A : memref<!tpu.dma_semaphore, #tpu.memory_space<semaphore_mem>>) src(%dma_wait3A_515 : memref<64xi32, #tpu.memory_space<hbm>>) dst(%arg9 : memref<64xi32, #tpu.memory_space<vmem>>)
        tpu.yield
      }) : () -> ()
      "tpu.region"() ({
        %run_scoped3A = tpu.sem_alloc : memref<!tpu.dma_semaphore, #tpu.memory_space<semaphore_mem>>
        %dma_start3A_512 = tpu.memref_slice %arg3[%add3A_14] : memref<16384xi32, #tpu.memory_space<hbm>> -> memref<64xi32, #tpu.memory_space<hbm>>
        %dma_start3A_513 = tpu.memref_slice %arg3[%add3A_14] : memref<16384xi32, #tpu.memory_space<hbm>> -> memref<64xi32, #tpu.memory_space<hbm>>
        tpu.enqueue_dma source(%dma_start3A_513 : memref<64xi32, #tpu.memory_space<hbm>>) target(%arg10 : memref<64xi32, #tpu.memory_space<vmem>>) target_semaphore(%run_scoped3A : memref<!tpu.dma_semaphore, #tpu.memory_space<semaphore_mem>>)
        %dma_wait3A_514 = tpu.memref_slice %arg3[%add3A_14] : memref<16384xi32, #tpu.memory_space<hbm>> -> memref<64xi32, #tpu.memory_space<hbm>>
        %dma_wait3A_515 = tpu.memref_slice %arg3[%add3A_14] : memref<16384xi32, #tpu.memory_space<hbm>> -> memref<64xi32, #tpu.memory_space<hbm>>
        tpu.wait_dma2 semaphore(%run_scoped3A : memref<!tpu.dma_semaphore, #tpu.memory_space<semaphore_mem>>) src(%dma_wait3A_515 : memref<64xi32, #tpu.memory_space<hbm>>) dst(%arg10 : memref<64xi32, #tpu.memory_space<vmem>>)
        tpu.yield
      }) : () -> ()
      %dma_start3A = arith.constant 0 : i32
      %dma_start3A_15 = arith.constant 0 : i32
      %dma_start3A_16 = tpu.memref_slice %arg5[%dma_start3A, %dma_start3A_15] : memref<1000000x64xf32, #tpu.memory_space<hbm>> -> memref<1000000x64xf32, #tpu.memory_space<hbm>>
      tpu.enqueue_indirect_dma source(%dma_start3A_16 : memref<1000000x64xf32, #tpu.memory_space<hbm>>) target(%arg12 : memref<64x64xf32, #tpu.memory_space<vmem>>) offsets(%arg9 : memref<64xi32, #tpu.memory_space<vmem>>) semaphore(%arg18 : memref<!tpu.dma_semaphore, #tpu.memory_space<semaphore_mem>>)
      %dma_start3A_17 = arith.constant 0 : i32
      %dma_start3A_18 = arith.constant 0 : i32
      %dma_start3A_19 = tpu.memref_slice %arg6[%dma_start3A_17, %dma_start3A_18] : memref<1000000x64xf32, #tpu.memory_space<hbm>> -> memref<1000000x64xf32, #tpu.memory_space<hbm>>
      tpu.enqueue_indirect_dma source(%dma_start3A_19 : memref<1000000x64xf32, #tpu.memory_space<hbm>>) target(%arg13 : memref<64x64xf32, #tpu.memory_space<vmem>>) offsets(%arg10 : memref<64xi32, #tpu.memory_space<vmem>>) semaphore(%arg18 : memref<!tpu.dma_semaphore, #tpu.memory_space<semaphore_mem>>)
      %mul3A_20 = arith.constant 64 : i32
      %mul3A_21 = arith.muli %add3A_11, %mul3A_20 : i32
      %dma_start3A_22 = arith.constant 0 : i32
      %dma_start3A_23 = arith.constant 0 : i32
      %dma_start3A_24 = arith.constant 0 : i32
      %dma_start3A_25 = arith.constant 0 : i32
      %dma_start3A_26 = tpu.memref_slice %arg14[%dma_start3A_23, %dma_start3A_24, %dma_start3A_25] : memref<20x64x64xf32, #tpu.memory_space<vmem>> -> memref<1x64x64xf32, #tpu.memory_space<vmem>>
      %dma_start3A_27 = tpu.memref_squeeze %dma_start3A_26 : memref<1x64x64xf32, #tpu.memory_space<vmem>> -> memref<64x64xf32, #tpu.memory_space<vmem>>
      %dma_start3A_28 = tpu.memref_slice %arg11[%dma_start3A_22, %mul3A_21] : memref<24x512xi32, #tpu.memory_space<vmem>> -> memref<1x64xi32, #tpu.memory_space<vmem>>
      %dma_start3A_29 = tpu.memref_squeeze %dma_start3A_28 : memref<1x64xi32, #tpu.memory_space<vmem>> -> memref<64xi32, #tpu.memory_space<vmem>>
      %dma_start3A_30 = arith.constant 0 : i32
      %dma_start3A_31 = arith.constant 0 : i32
      %dma_start3A_32 = tpu.memref_slice %arg6[%dma_start3A_30, %dma_start3A_31] : memref<1000000x64xf32, #tpu.memory_space<hbm>> -> memref<1000000x64xf32, #tpu.memory_space<hbm>>
      tpu.enqueue_indirect_dma source(%dma_start3A_32 : memref<1000000x64xf32, #tpu.memory_space<hbm>>) target(%dma_start3A_27 : memref<64x64xf32, #tpu.memory_space<vmem>>) offsets(%dma_start3A_29 : memref<64xi32, #tpu.memory_space<vmem>>) semaphore(%arg17 : memref<!tpu.dma_semaphore, #tpu.memory_space<semaphore_mem>>)
      %mul3A_33 = arith.constant 64 : i32
      %mul3A_34 = arith.muli %add3A_11, %mul3A_33 : i32
      %dma_start3A_35 = arith.constant 1 : i32
      %dma_start3A_36 = arith.constant 1 : i32
      %dma_start3A_37 = arith.constant 0 : i32
      %dma_start3A_38 = arith.constant 0 : i32
      %dma_start3A_39 = tpu.memref_slice %arg14[%dma_start3A_36, %dma_start3A_37, %dma_start3A_38] : memref<20x64x64xf32, #tpu.memory_space<vmem>> -> memref<1x64x64xf32, #tpu.memory_space<vmem>>
      %dma_start3A_40 = tpu.memref_squeeze %dma_start3A_39 : memref<1x64x64xf32, #tpu.memory_space<vmem>> -> memref<64x64xf32, #tpu.memory_space<vmem>>
      %dma_start3A_41 = tpu.memref_slice %arg11[%dma_start3A_35, %mul3A_34] : memref<24x512xi32, #tpu.memory_space<vmem>> -> memref<1x64xi32, #tpu.memory_space<vmem>>
      %dma_start3A_42 = tpu.memref_squeeze %dma_start3A_41 : memref<1x64xi32, #tpu.memory_space<vmem>> -> memref<64xi32, #tpu.memory_space<vmem>>
      %dma_start3A_43 = arith.constant 0 : i32
      %dma_start3A_44 = arith.constant 0 : i32
      %dma_start3A_45 = tpu.memref_slice %arg6[%dma_start3A_43, %dma_start3A_44] : memref<1000000x64xf32, #tpu.memory_space<hbm>> -> memref<1000000x64xf32, #tpu.memory_space<hbm>>
      tpu.enqueue_indirect_dma source(%dma_start3A_45 : memref<1000000x64xf32, #tpu.memory_space<hbm>>) target(%dma_start3A_40 : memref<64x64xf32, #tpu.memory_space<vmem>>) offsets(%dma_start3A_42 : memref<64xi32, #tpu.memory_space<vmem>>) semaphore(%arg17 : memref<!tpu.dma_semaphore, #tpu.memory_space<semaphore_mem>>)
      %mul3A_46 = arith.constant 64 : i32
      %mul3A_47 = arith.muli %add3A_11, %mul3A_46 : i32
      %dma_start3A_48 = arith.constant 2 : i32
      %dma_start3A_49 = arith.constant 2 : i32
      %dma_start3A_50 = arith.constant 0 : i32
      %dma_start3A_51 = arith.constant 0 : i32
      %dma_start3A_52 = tpu.memref_slice %arg14[%dma_start3A_49, %dma_start3A_50, %dma_start3A_51] : memref<20x64x64xf32, #tpu.memory_space<vmem>> -> memref<1x64x64xf32, #tpu.memory_space<vmem>>
      %dma_start3A_53 = tpu.memref_squeeze %dma_start3A_52 : memref<1x64x64xf32, #tpu.memory_space<vmem>> -> memref<64x64xf32, #tpu.memory_space<vmem>>
      %dma_start3A_54 = tpu.memref_slice %arg11[%dma_start3A_48, %mul3A_47] : memref<24x512xi32, #tpu.memory_space<vmem>> -> memref<1x64xi32, #tpu.memory_space<vmem>>
      %dma_start3A_55 = tpu.memref_squeeze %dma_start3A_54 : memref<1x64xi32, #tpu.memory_space<vmem>> -> memref<64xi32, #tpu.memory_space<vmem>>
      %dma_start3A_56 = arith.constant 0 : i32
      %dma_start3A_57 = arith.constant 0 : i32
      %dma_start3A_58 = tpu.memref_slice %arg6[%dma_start3A_56, %dma_start3A_57] : memref<1000000x64xf32, #tpu.memory_space<hbm>> -> memref<1000000x64xf32, #tpu.memory_space<hbm>>
      tpu.enqueue_indirect_dma source(%dma_start3A_58 : memref<1000000x64xf32, #tpu.memory_space<hbm>>) target(%dma_start3A_53 : memref<64x64xf32, #tpu.memory_space<vmem>>) offsets(%dma_start3A_55 : memref<64xi32, #tpu.memory_space<vmem>>) semaphore(%arg17 : memref<!tpu.dma_semaphore, #tpu.memory_space<semaphore_mem>>)
      %mul3A_59 = arith.constant 64 : i32
      %mul3A_60 = arith.muli %add3A_11, %mul3A_59 : i32
      %dma_start3A_61 = arith.constant 3 : i32
      %dma_start3A_62 = arith.constant 3 : i32
      %dma_start3A_63 = arith.constant 0 : i32
      %dma_start3A_64 = arith.constant 0 : i32
      %dma_start3A_65 = tpu.memref_slice %arg14[%dma_start3A_62, %dma_start3A_63, %dma_start3A_64] : memref<20x64x64xf32, #tpu.memory_space<vmem>> -> memref<1x64x64xf32, #tpu.memory_space<vmem>>
      %dma_start3A_66 = tpu.memref_squeeze %dma_start3A_65 : memref<1x64x64xf32, #tpu.memory_space<vmem>> -> memref<64x64xf32, #tpu.memory_space<vmem>>
      %dma_start3A_67 = tpu.memref_slice %arg11[%dma_start3A_61, %mul3A_60] : memref<24x512xi32, #tpu.memory_space<vmem>> -> memref<1x64xi32, #tpu.memory_space<vmem>>
      %dma_start3A_68 = tpu.memref_squeeze %dma_start3A_67 : memref<1x64xi32, #tpu.memory_space<vmem>> -> memref<64xi32, #tpu.memory_space<vmem>>
      %dma_start3A_69 = arith.constant 0 : i32
      %dma_start3A_70 = arith.constant 0 : i32
      %dma_start3A_71 = tpu.memref_slice %arg6[%dma_start3A_69, %dma_start3A_70] : memref<1000000x64xf32, #tpu.memory_space<hbm>> -> memref<1000000x64xf32, #tpu.memory_space<hbm>>
      tpu.enqueue_indirect_dma source(%dma_start3A_71 : memref<1000000x64xf32, #tpu.memory_space<hbm>>) target(%dma_start3A_66 : memref<64x64xf32, #tpu.memory_space<vmem>>) offsets(%dma_start3A_68 : memref<64xi32, #tpu.memory_space<vmem>>) semaphore(%arg17 : memref<!tpu.dma_semaphore, #tpu.memory_space<semaphore_mem>>)
      %mul3A_72 = arith.constant 64 : i32
      %mul3A_73 = arith.muli %add3A_11, %mul3A_72 : i32
      %dma_start3A_74 = arith.constant 4 : i32
      %dma_start3A_75 = arith.constant 4 : i32
      %dma_start3A_76 = arith.constant 0 : i32
      %dma_start3A_77 = arith.constant 0 : i32
      %dma_start3A_78 = tpu.memref_slice %arg14[%dma_start3A_75, %dma_start3A_76, %dma_start3A_77] : memref<20x64x64xf32, #tpu.memory_space<vmem>> -> memref<1x64x64xf32, #tpu.memory_space<vmem>>
      %dma_start3A_79 = tpu.memref_squeeze %dma_start3A_78 : memref<1x64x64xf32, #tpu.memory_space<vmem>> -> memref<64x64xf32, #tpu.memory_space<vmem>>
      %dma_start3A_80 = tpu.memref_slice %arg11[%dma_start3A_74, %mul3A_73] : memref<24x512xi32, #tpu.memory_space<vmem>> -> memref<1x64xi32, #tpu.memory_space<vmem>>
      %dma_start3A_81 = tpu.memref_squeeze %dma_start3A_80 : memref<1x64xi32, #tpu.memory_space<vmem>> -> memref<64xi32, #tpu.memory_space<vmem>>
      %dma_start3A_82 = arith.constant 0 : i32
      %dma_start3A_83 = arith.constant 0 : i32
      %dma_start3A_84 = tpu.memref_slice %arg6[%dma_start3A_82, %dma_start3A_83] : memref<1000000x64xf32, #tpu.memory_space<hbm>> -> memref<1000000x64xf32, #tpu.memory_space<hbm>>
      tpu.enqueue_indirect_dma source(%dma_start3A_84 : memref<1000000x64xf32, #tpu.memory_space<hbm>>) target(%dma_start3A_79 : memref<64x64xf32, #tpu.memory_space<vmem>>) offsets(%dma_start3A_81 : memref<64xi32, #tpu.memory_space<vmem>>) semaphore(%arg17 : memref<!tpu.dma_semaphore, #tpu.memory_space<semaphore_mem>>)
      %mul3A_85 = arith.constant 64 : i32
      %mul3A_86 = arith.muli %add3A_11, %mul3A_85 : i32
      %dma_start3A_87 = arith.constant 5 : i32
      %dma_start3A_88 = arith.constant 5 : i32
      %dma_start3A_89 = arith.constant 0 : i32
      %dma_start3A_90 = arith.constant 0 : i32
      %dma_start3A_91 = tpu.memref_slice %arg14[%dma_start3A_88, %dma_start3A_89, %dma_start3A_90] : memref<20x64x64xf32, #tpu.memory_space<vmem>> -> memref<1x64x64xf32, #tpu.memory_space<vmem>>
      %dma_start3A_92 = tpu.memref_squeeze %dma_start3A_91 : memref<1x64x64xf32, #tpu.memory_space<vmem>> -> memref<64x64xf32, #tpu.memory_space<vmem>>
      %dma_start3A_93 = tpu.memref_slice %arg11[%dma_start3A_87, %mul3A_86] : memref<24x512xi32, #tpu.memory_space<vmem>> -> memref<1x64xi32, #tpu.memory_space<vmem>>
      %dma_start3A_94 = tpu.memref_squeeze %dma_start3A_93 : memref<1x64xi32, #tpu.memory_space<vmem>> -> memref<64xi32, #tpu.memory_space<vmem>>
      %dma_start3A_95 = arith.constant 0 : i32
      %dma_start3A_96 = arith.constant 0 : i32
      %dma_start3A_97 = tpu.memref_slice %arg6[%dma_start3A_95, %dma_start3A_96] : memref<1000000x64xf32, #tpu.memory_space<hbm>> -> memref<1000000x64xf32, #tpu.memory_space<hbm>>
      tpu.enqueue_indirect_dma source(%dma_start3A_97 : memref<1000000x64xf32, #tpu.memory_space<hbm>>) target(%dma_start3A_92 : memref<64x64xf32, #tpu.memory_space<vmem>>) offsets(%dma_start3A_94 : memref<64xi32, #tpu.memory_space<vmem>>) semaphore(%arg17 : memref<!tpu.dma_semaphore, #tpu.memory_space<semaphore_mem>>)
      %mul3A_98 = arith.constant 64 : i32
      %mul3A_99 = arith.muli %add3A_11, %mul3A_98 : i32
      %dma_start3A_100 = arith.constant 6 : i32
      %dma_start3A_101 = arith.constant 6 : i32
      %dma_start3A_102 = arith.constant 0 : i32
      %dma_start3A_103 = arith.constant 0 : i32
      %dma_start3A_104 = tpu.memref_slice %arg14[%dma_start3A_101, %dma_start3A_102, %dma_start3A_103] : memref<20x64x64xf32, #tpu.memory_space<vmem>> -> memref<1x64x64xf32, #tpu.memory_space<vmem>>
      %dma_start3A_105 = tpu.memref_squeeze %dma_start3A_104 : memref<1x64x64xf32, #tpu.memory_space<vmem>> -> memref<64x64xf32, #tpu.memory_space<vmem>>
      %dma_start3A_106 = tpu.memref_slice %arg11[%dma_start3A_100, %mul3A_99] : memref<24x512xi32, #tpu.memory_space<vmem>> -> memref<1x64xi32, #tpu.memory_space<vmem>>
      %dma_start3A_107 = tpu.memref_squeeze %dma_start3A_106 : memref<1x64xi32, #tpu.memory_space<vmem>> -> memref<64xi32, #tpu.memory_space<vmem>>
      %dma_start3A_108 = arith.constant 0 : i32
      %dma_start3A_109 = arith.constant 0 : i32
      %dma_start3A_110 = tpu.memref_slice %arg6[%dma_start3A_108, %dma_start3A_109] : memref<1000000x64xf32, #tpu.memory_space<hbm>> -> memref<1000000x64xf32, #tpu.memory_space<hbm>>
      tpu.enqueue_indirect_dma source(%dma_start3A_110 : memref<1000000x64xf32, #tpu.memory_space<hbm>>) target(%dma_start3A_105 : memref<64x64xf32, #tpu.memory_space<vmem>>) offsets(%dma_start3A_107 : memref<64xi32, #tpu.memory_space<vmem>>) semaphore(%arg17 : memref<!tpu.dma_semaphore, #tpu.memory_space<semaphore_mem>>)
      %mul3A_111 = arith.constant 64 : i32
      %mul3A_112 = arith.muli %add3A_11, %mul3A_111 : i32
      %dma_start3A_113 = arith.constant 7 : i32
      %dma_start3A_114 = arith.constant 7 : i32
      %dma_start3A_115 = arith.constant 0 : i32
      %dma_start3A_116 = arith.constant 0 : i32
      %dma_start3A_117 = tpu.memref_slice %arg14[%dma_start3A_114, %dma_start3A_115, %dma_start3A_116] : memref<20x64x64xf32, #tpu.memory_space<vmem>> -> memref<1x64x64xf32, #tpu.memory_space<vmem>>
      %dma_start3A_118 = tpu.memref_squeeze %dma_start3A_117 : memref<1x64x64xf32, #tpu.memory_space<vmem>> -> memref<64x64xf32, #tpu.memory_space<vmem>>
      %dma_start3A_119 = tpu.memref_slice %arg11[%dma_start3A_113, %mul3A_112] : memref<24x512xi32, #tpu.memory_space<vmem>> -> memref<1x64xi32, #tpu.memory_space<vmem>>
      %dma_start3A_120 = tpu.memref_squeeze %dma_start3A_119 : memref<1x64xi32, #tpu.memory_space<vmem>> -> memref<64xi32, #tpu.memory_space<vmem>>
      %dma_start3A_121 = arith.constant 0 : i32
      %dma_start3A_122 = arith.constant 0 : i32
      %dma_start3A_123 = tpu.memref_slice %arg6[%dma_start3A_121, %dma_start3A_122] : memref<1000000x64xf32, #tpu.memory_space<hbm>> -> memref<1000000x64xf32, #tpu.memory_space<hbm>>
      tpu.enqueue_indirect_dma source(%dma_start3A_123 : memref<1000000x64xf32, #tpu.memory_space<hbm>>) target(%dma_start3A_118 : memref<64x64xf32, #tpu.memory_space<vmem>>) offsets(%dma_start3A_120 : memref<64xi32, #tpu.memory_space<vmem>>) semaphore(%arg17 : memref<!tpu.dma_semaphore, #tpu.memory_space<semaphore_mem>>)
      %mul3A_124 = arith.constant 64 : i32
      %mul3A_125 = arith.muli %add3A_11, %mul3A_124 : i32
      %dma_start3A_126 = arith.constant 8 : i32
      %dma_start3A_127 = arith.constant 8 : i32
      %dma_start3A_128 = arith.constant 0 : i32
      %dma_start3A_129 = arith.constant 0 : i32
      %dma_start3A_130 = tpu.memref_slice %arg14[%dma_start3A_127, %dma_start3A_128, %dma_start3A_129] : memref<20x64x64xf32, #tpu.memory_space<vmem>> -> memref<1x64x64xf32, #tpu.memory_space<vmem>>
      %dma_start3A_131 = tpu.memref_squeeze %dma_start3A_130 : memref<1x64x64xf32, #tpu.memory_space<vmem>> -> memref<64x64xf32, #tpu.memory_space<vmem>>
      %dma_start3A_132 = tpu.memref_slice %arg11[%dma_start3A_126, %mul3A_125] : memref<24x512xi32, #tpu.memory_space<vmem>> -> memref<1x64xi32, #tpu.memory_space<vmem>>
      %dma_start3A_133 = tpu.memref_squeeze %dma_start3A_132 : memref<1x64xi32, #tpu.memory_space<vmem>> -> memref<64xi32, #tpu.memory_space<vmem>>
      %dma_start3A_134 = arith.constant 0 : i32
      %dma_start3A_135 = arith.constant 0 : i32
      %dma_start3A_136 = tpu.memref_slice %arg6[%dma_start3A_134, %dma_start3A_135] : memref<1000000x64xf32, #tpu.memory_space<hbm>> -> memref<1000000x64xf32, #tpu.memory_space<hbm>>
      tpu.enqueue_indirect_dma source(%dma_start3A_136 : memref<1000000x64xf32, #tpu.memory_space<hbm>>) target(%dma_start3A_131 : memref<64x64xf32, #tpu.memory_space<vmem>>) offsets(%dma_start3A_133 : memref<64xi32, #tpu.memory_space<vmem>>) semaphore(%arg17 : memref<!tpu.dma_semaphore, #tpu.memory_space<semaphore_mem>>)
      %mul3A_137 = arith.constant 64 : i32
      %mul3A_138 = arith.muli %add3A_11, %mul3A_137 : i32
      %dma_start3A_139 = arith.constant 9 : i32
      %dma_start3A_140 = arith.constant 9 : i32
      %dma_start3A_141 = arith.constant 0 : i32
      %dma_start3A_142 = arith.constant 0 : i32
      %dma_start3A_143 = tpu.memref_slice %arg14[%dma_start3A_140, %dma_start3A_141, %dma_start3A_142] : memref<20x64x64xf32, #tpu.memory_space<vmem>> -> memref<1x64x64xf32, #tpu.memory_space<vmem>>
      %dma_start3A_144 = tpu.memref_squeeze %dma_start3A_143 : memref<1x64x64xf32, #tpu.memory_space<vmem>> -> memref<64x64xf32, #tpu.memory_space<vmem>>
      %dma_start3A_145 = tpu.memref_slice %arg11[%dma_start3A_139, %mul3A_138] : memref<24x512xi32, #tpu.memory_space<vmem>> -> memref<1x64xi32, #tpu.memory_space<vmem>>
      %dma_start3A_146 = tpu.memref_squeeze %dma_start3A_145 : memref<1x64xi32, #tpu.memory_space<vmem>> -> memref<64xi32, #tpu.memory_space<vmem>>
      %dma_start3A_147 = arith.constant 0 : i32
      %dma_start3A_148 = arith.constant 0 : i32
      %dma_start3A_149 = tpu.memref_slice %arg6[%dma_start3A_147, %dma_start3A_148] : memref<1000000x64xf32, #tpu.memory_space<hbm>> -> memref<1000000x64xf32, #tpu.memory_space<hbm>>
      tpu.enqueue_indirect_dma source(%dma_start3A_149 : memref<1000000x64xf32, #tpu.memory_space<hbm>>) target(%dma_start3A_144 : memref<64x64xf32, #tpu.memory_space<vmem>>) offsets(%dma_start3A_146 : memref<64xi32, #tpu.memory_space<vmem>>) semaphore(%arg17 : memref<!tpu.dma_semaphore, #tpu.memory_space<semaphore_mem>>)
      %mul3A_150 = arith.constant 64 : i32
      %mul3A_151 = arith.muli %add3A_11, %mul3A_150 : i32
      %dma_start3A_152 = arith.constant 10 : i32
      %dma_start3A_153 = arith.constant 10 : i32
      %dma_start3A_154 = arith.constant 0 : i32
      %dma_start3A_155 = arith.constant 0 : i32
      %dma_start3A_156 = tpu.memref_slice %arg14[%dma_start3A_153, %dma_start3A_154, %dma_start3A_155] : memref<20x64x64xf32, #tpu.memory_space<vmem>> -> memref<1x64x64xf32, #tpu.memory_space<vmem>>
      %dma_start3A_157 = tpu.memref_squeeze %dma_start3A_156 : memref<1x64x64xf32, #tpu.memory_space<vmem>> -> memref<64x64xf32, #tpu.memory_space<vmem>>
      %dma_start3A_158 = tpu.memref_slice %arg11[%dma_start3A_152, %mul3A_151] : memref<24x512xi32, #tpu.memory_space<vmem>> -> memref<1x64xi32, #tpu.memory_space<vmem>>
      %dma_start3A_159 = tpu.memref_squeeze %dma_start3A_158 : memref<1x64xi32, #tpu.memory_space<vmem>> -> memref<64xi32, #tpu.memory_space<vmem>>
      %dma_start3A_160 = arith.constant 0 : i32
      %dma_start3A_161 = arith.constant 0 : i32
      %dma_start3A_162 = tpu.memref_slice %arg6[%dma_start3A_160, %dma_start3A_161] : memref<1000000x64xf32, #tpu.memory_space<hbm>> -> memref<1000000x64xf32, #tpu.memory_space<hbm>>
      tpu.enqueue_indirect_dma source(%dma_start3A_162 : memref<1000000x64xf32, #tpu.memory_space<hbm>>) target(%dma_start3A_157 : memref<64x64xf32, #tpu.memory_space<vmem>>) offsets(%dma_start3A_159 : memref<64xi32, #tpu.memory_space<vmem>>) semaphore(%arg17 : memref<!tpu.dma_semaphore, #tpu.memory_space<semaphore_mem>>)
      %mul3A_163 = arith.constant 64 : i32
      %mul3A_164 = arith.muli %add3A_11, %mul3A_163 : i32
      %dma_start3A_165 = arith.constant 11 : i32
      %dma_start3A_166 = arith.constant 11 : i32
      %dma_start3A_167 = arith.constant 0 : i32
      %dma_start3A_168 = arith.constant 0 : i32
      %dma_start3A_169 = tpu.memref_slice %arg14[%dma_start3A_166, %dma_start3A_167, %dma_start3A_168] : memref<20x64x64xf32, #tpu.memory_space<vmem>> -> memref<1x64x64xf32, #tpu.memory_space<vmem>>
      %dma_start3A_170 = tpu.memref_squeeze %dma_start3A_169 : memref<1x64x64xf32, #tpu.memory_space<vmem>> -> memref<64x64xf32, #tpu.memory_space<vmem>>
      %dma_start3A_171 = tpu.memref_slice %arg11[%dma_start3A_165, %mul3A_164] : memref<24x512xi32, #tpu.memory_space<vmem>> -> memref<1x64xi32, #tpu.memory_space<vmem>>
      %dma_start3A_172 = tpu.memref_squeeze %dma_start3A_171 : memref<1x64xi32, #tpu.memory_space<vmem>> -> memref<64xi32, #tpu.memory_space<vmem>>
      %dma_start3A_173 = arith.constant 0 : i32
      %dma_start3A_174 = arith.constant 0 : i32
      %dma_start3A_175 = tpu.memref_slice %arg6[%dma_start3A_173, %dma_start3A_174] : memref<1000000x64xf32, #tpu.memory_space<hbm>> -> memref<1000000x64xf32, #tpu.memory_space<hbm>>
      tpu.enqueue_indirect_dma source(%dma_start3A_175 : memref<1000000x64xf32, #tpu.memory_space<hbm>>) target(%dma_start3A_170 : memref<64x64xf32, #tpu.memory_space<vmem>>) offsets(%dma_start3A_172 : memref<64xi32, #tpu.memory_space<vmem>>) semaphore(%arg17 : memref<!tpu.dma_semaphore, #tpu.memory_space<semaphore_mem>>)
      %mul3A_176 = arith.constant 64 : i32
      %mul3A_177 = arith.muli %add3A_11, %mul3A_176 : i32
      %dma_start3A_178 = arith.constant 12 : i32
      %dma_start3A_179 = arith.constant 12 : i32
      %dma_start3A_180 = arith.constant 0 : i32
      %dma_start3A_181 = arith.constant 0 : i32
      %dma_start3A_182 = tpu.memref_slice %arg14[%dma_start3A_179, %dma_start3A_180, %dma_start3A_181] : memref<20x64x64xf32, #tpu.memory_space<vmem>> -> memref<1x64x64xf32, #tpu.memory_space<vmem>>
      %dma_start3A_183 = tpu.memref_squeeze %dma_start3A_182 : memref<1x64x64xf32, #tpu.memory_space<vmem>> -> memref<64x64xf32, #tpu.memory_space<vmem>>
      %dma_start3A_184 = tpu.memref_slice %arg11[%dma_start3A_178, %mul3A_177] : memref<24x512xi32, #tpu.memory_space<vmem>> -> memref<1x64xi32, #tpu.memory_space<vmem>>
      %dma_start3A_185 = tpu.memref_squeeze %dma_start3A_184 : memref<1x64xi32, #tpu.memory_space<vmem>> -> memref<64xi32, #tpu.memory_space<vmem>>
      %dma_start3A_186 = arith.constant 0 : i32
      %dma_start3A_187 = arith.constant 0 : i32
      %dma_start3A_188 = tpu.memref_slice %arg6[%dma_start3A_186, %dma_start3A_187] : memref<1000000x64xf32, #tpu.memory_space<hbm>> -> memref<1000000x64xf32, #tpu.memory_space<hbm>>
      tpu.enqueue_indirect_dma source(%dma_start3A_188 : memref<1000000x64xf32, #tpu.memory_space<hbm>>) target(%dma_start3A_183 : memref<64x64xf32, #tpu.memory_space<vmem>>) offsets(%dma_start3A_185 : memref<64xi32, #tpu.memory_space<vmem>>) semaphore(%arg17 : memref<!tpu.dma_semaphore, #tpu.memory_space<semaphore_mem>>)
      %mul3A_189 = arith.constant 64 : i32
      %mul3A_190 = arith.muli %add3A_11, %mul3A_189 : i32
      %dma_start3A_191 = arith.constant 13 : i32
      %dma_start3A_192 = arith.constant 13 : i32
      %dma_start3A_193 = arith.constant 0 : i32
      %dma_start3A_194 = arith.constant 0 : i32
      %dma_start3A_195 = tpu.memref_slice %arg14[%dma_start3A_192, %dma_start3A_193, %dma_start3A_194] : memref<20x64x64xf32, #tpu.memory_space<vmem>> -> memref<1x64x64xf32, #tpu.memory_space<vmem>>
      %dma_start3A_196 = tpu.memref_squeeze %dma_start3A_195 : memref<1x64x64xf32, #tpu.memory_space<vmem>> -> memref<64x64xf32, #tpu.memory_space<vmem>>
      %dma_start3A_197 = tpu.memref_slice %arg11[%dma_start3A_191, %mul3A_190] : memref<24x512xi32, #tpu.memory_space<vmem>> -> memref<1x64xi32, #tpu.memory_space<vmem>>
      %dma_start3A_198 = tpu.memref_squeeze %dma_start3A_197 : memref<1x64xi32, #tpu.memory_space<vmem>> -> memref<64xi32, #tpu.memory_space<vmem>>
      %dma_start3A_199 = arith.constant 0 : i32
      %dma_start3A_200 = arith.constant 0 : i32
      %dma_start3A_201 = tpu.memref_slice %arg6[%dma_start3A_199, %dma_start3A_200] : memref<1000000x64xf32, #tpu.memory_space<hbm>> -> memref<1000000x64xf32, #tpu.memory_space<hbm>>
      tpu.enqueue_indirect_dma source(%dma_start3A_201 : memref<1000000x64xf32, #tpu.memory_space<hbm>>) target(%dma_start3A_196 : memref<64x64xf32, #tpu.memory_space<vmem>>) offsets(%dma_start3A_198 : memref<64xi32, #tpu.memory_space<vmem>>) semaphore(%arg17 : memref<!tpu.dma_semaphore, #tpu.memory_space<semaphore_mem>>)
      %mul3A_202 = arith.constant 64 : i32
      %mul3A_203 = arith.muli %add3A_11, %mul3A_202 : i32
      %dma_start3A_204 = arith.constant 14 : i32
      %dma_start3A_205 = arith.constant 14 : i32
      %dma_start3A_206 = arith.constant 0 : i32
      %dma_start3A_207 = arith.constant 0 : i32
      %dma_start3A_208 = tpu.memref_slice %arg14[%dma_start3A_205, %dma_start3A_206, %dma_start3A_207] : memref<20x64x64xf32, #tpu.memory_space<vmem>> -> memref<1x64x64xf32, #tpu.memory_space<vmem>>
      %dma_start3A_209 = tpu.memref_squeeze %dma_start3A_208 : memref<1x64x64xf32, #tpu.memory_space<vmem>> -> memref<64x64xf32, #tpu.memory_space<vmem>>
      %dma_start3A_210 = tpu.memref_slice %arg11[%dma_start3A_204, %mul3A_203] : memref<24x512xi32, #tpu.memory_space<vmem>> -> memref<1x64xi32, #tpu.memory_space<vmem>>
      %dma_start3A_211 = tpu.memref_squeeze %dma_start3A_210 : memref<1x64xi32, #tpu.memory_space<vmem>> -> memref<64xi32, #tpu.memory_space<vmem>>
      %dma_start3A_212 = arith.constant 0 : i32
      %dma_start3A_213 = arith.constant 0 : i32
      %dma_start3A_214 = tpu.memref_slice %arg6[%dma_start3A_212, %dma_start3A_213] : memref<1000000x64xf32, #tpu.memory_space<hbm>> -> memref<1000000x64xf32, #tpu.memory_space<hbm>>
      tpu.enqueue_indirect_dma source(%dma_start3A_214 : memref<1000000x64xf32, #tpu.memory_space<hbm>>) target(%dma_start3A_209 : memref<64x64xf32, #tpu.memory_space<vmem>>) offsets(%dma_start3A_211 : memref<64xi32, #tpu.memory_space<vmem>>) semaphore(%arg17 : memref<!tpu.dma_semaphore, #tpu.memory_space<semaphore_mem>>)
      %mul3A_215 = arith.constant 64 : i32
      %mul3A_216 = arith.muli %add3A_11, %mul3A_215 : i32
      %dma_start3A_217 = arith.constant 15 : i32
      %dma_start3A_218 = arith.constant 15 : i32
      %dma_start3A_219 = arith.constant 0 : i32
      %dma_start3A_220 = arith.constant 0 : i32
      %dma_start3A_221 = tpu.memref_slice %arg14[%dma_start3A_218, %dma_start3A_219, %dma_start3A_220] : memref<20x64x64xf32, #tpu.memory_space<vmem>> -> memref<1x64x64xf32, #tpu.memory_space<vmem>>
      %dma_start3A_222 = tpu.memref_squeeze %dma_start3A_221 : memref<1x64x64xf32, #tpu.memory_space<vmem>> -> memref<64x64xf32, #tpu.memory_space<vmem>>
      %dma_start3A_223 = tpu.memref_slice %arg11[%dma_start3A_217, %mul3A_216] : memref<24x512xi32, #tpu.memory_space<vmem>> -> memref<1x64xi32, #tpu.memory_space<vmem>>
      %dma_start3A_224 = tpu.memref_squeeze %dma_start3A_223 : memref<1x64xi32, #tpu.memory_space<vmem>> -> memref<64xi32, #tpu.memory_space<vmem>>
      %dma_start3A_225 = arith.constant 0 : i32
      %dma_start3A_226 = arith.constant 0 : i32
      %dma_start3A_227 = tpu.memref_slice %arg6[%dma_start3A_225, %dma_start3A_226] : memref<1000000x64xf32, #tpu.memory_space<hbm>> -> memref<1000000x64xf32, #tpu.memory_space<hbm>>
      tpu.enqueue_indirect_dma source(%dma_start3A_227 : memref<1000000x64xf32, #tpu.memory_space<hbm>>) target(%dma_start3A_222 : memref<64x64xf32, #tpu.memory_space<vmem>>) offsets(%dma_start3A_224 : memref<64xi32, #tpu.memory_space<vmem>>) semaphore(%arg17 : memref<!tpu.dma_semaphore, #tpu.memory_space<semaphore_mem>>)
      %mul3A_228 = arith.constant 64 : i32
      %mul3A_229 = arith.muli %add3A_11, %mul3A_228 : i32
      %dma_start3A_230 = arith.constant 16 : i32
      %dma_start3A_231 = arith.constant 16 : i32
      %dma_start3A_232 = arith.constant 0 : i32
      %dma_start3A_233 = arith.constant 0 : i32
      %dma_start3A_234 = tpu.memref_slice %arg14[%dma_start3A_231, %dma_start3A_232, %dma_start3A_233] : memref<20x64x64xf32, #tpu.memory_space<vmem>> -> memref<1x64x64xf32, #tpu.memory_space<vmem>>
      %dma_start3A_235 = tpu.memref_squeeze %dma_start3A_234 : memref<1x64x64xf32, #tpu.memory_space<vmem>> -> memref<64x64xf32, #tpu.memory_space<vmem>>
      %dma_start3A_236 = tpu.memref_slice %arg11[%dma_start3A_230, %mul3A_229] : memref<24x512xi32, #tpu.memory_space<vmem>> -> memref<1x64xi32, #tpu.memory_space<vmem>>
      %dma_start3A_237 = tpu.memref_squeeze %dma_start3A_236 : memref<1x64xi32, #tpu.memory_space<vmem>> -> memref<64xi32, #tpu.memory_space<vmem>>
      %dma_start3A_238 = arith.constant 0 : i32
      %dma_start3A_239 = arith.constant 0 : i32
      %dma_start3A_240 = tpu.memref_slice %arg6[%dma_start3A_238, %dma_start3A_239] : memref<1000000x64xf32, #tpu.memory_space<hbm>> -> memref<1000000x64xf32, #tpu.memory_space<hbm>>
      tpu.enqueue_indirect_dma source(%dma_start3A_240 : memref<1000000x64xf32, #tpu.memory_space<hbm>>) target(%dma_start3A_235 : memref<64x64xf32, #tpu.memory_space<vmem>>) offsets(%dma_start3A_237 : memref<64xi32, #tpu.memory_space<vmem>>) semaphore(%arg17 : memref<!tpu.dma_semaphore, #tpu.memory_space<semaphore_mem>>)
      %mul3A_241 = arith.constant 64 : i32
      %mul3A_242 = arith.muli %add3A_11, %mul3A_241 : i32
      %dma_start3A_243 = arith.constant 17 : i32
      %dma_start3A_244 = arith.constant 17 : i32
      %dma_start3A_245 = arith.constant 0 : i32
      %dma_start3A_246 = arith.constant 0 : i32
      %dma_start3A_247 = tpu.memref_slice %arg14[%dma_start3A_244, %dma_start3A_245, %dma_start3A_246] : memref<20x64x64xf32, #tpu.memory_space<vmem>> -> memref<1x64x64xf32, #tpu.memory_space<vmem>>
      %dma_start3A_248 = tpu.memref_squeeze %dma_start3A_247 : memref<1x64x64xf32, #tpu.memory_space<vmem>> -> memref<64x64xf32, #tpu.memory_space<vmem>>
      %dma_start3A_249 = tpu.memref_slice %arg11[%dma_start3A_243, %mul3A_242] : memref<24x512xi32, #tpu.memory_space<vmem>> -> memref<1x64xi32, #tpu.memory_space<vmem>>
      %dma_start3A_250 = tpu.memref_squeeze %dma_start3A_249 : memref<1x64xi32, #tpu.memory_space<vmem>> -> memref<64xi32, #tpu.memory_space<vmem>>
      %dma_start3A_251 = arith.constant 0 : i32
      %dma_start3A_252 = arith.constant 0 : i32
      %dma_start3A_253 = tpu.memref_slice %arg6[%dma_start3A_251, %dma_start3A_252] : memref<1000000x64xf32, #tpu.memory_space<hbm>> -> memref<1000000x64xf32, #tpu.memory_space<hbm>>
      tpu.enqueue_indirect_dma source(%dma_start3A_253 : memref<1000000x64xf32, #tpu.memory_space<hbm>>) target(%dma_start3A_248 : memref<64x64xf32, #tpu.memory_space<vmem>>) offsets(%dma_start3A_250 : memref<64xi32, #tpu.memory_space<vmem>>) semaphore(%arg17 : memref<!tpu.dma_semaphore, #tpu.memory_space<semaphore_mem>>)
      %mul3A_254 = arith.constant 64 : i32
      %mul3A_255 = arith.muli %add3A_11, %mul3A_254 : i32
      %dma_start3A_256 = arith.constant 18 : i32
      %dma_start3A_257 = arith.constant 18 : i32
      %dma_start3A_258 = arith.constant 0 : i32
      %dma_start3A_259 = arith.constant 0 : i32
      %dma_start3A_260 = tpu.memref_slice %arg14[%dma_start3A_257, %dma_start3A_258, %dma_start3A_259] : memref<20x64x64xf32, #tpu.memory_space<vmem>> -> memref<1x64x64xf32, #tpu.memory_space<vmem>>
      %dma_start3A_261 = tpu.memref_squeeze %dma_start3A_260 : memref<1x64x64xf32, #tpu.memory_space<vmem>> -> memref<64x64xf32, #tpu.memory_space<vmem>>
      %dma_start3A_262 = tpu.memref_slice %arg11[%dma_start3A_256, %mul3A_255] : memref<24x512xi32, #tpu.memory_space<vmem>> -> memref<1x64xi32, #tpu.memory_space<vmem>>
      %dma_start3A_263 = tpu.memref_squeeze %dma_start3A_262 : memref<1x64xi32, #tpu.memory_space<vmem>> -> memref<64xi32, #tpu.memory_space<vmem>>
      %dma_start3A_264 = arith.constant 0 : i32
      %dma_start3A_265 = arith.constant 0 : i32
      %dma_start3A_266 = tpu.memref_slice %arg6[%dma_start3A_264, %dma_start3A_265] : memref<1000000x64xf32, #tpu.memory_space<hbm>> -> memref<1000000x64xf32, #tpu.memory_space<hbm>>
      tpu.enqueue_indirect_dma source(%dma_start3A_266 : memref<1000000x64xf32, #tpu.memory_space<hbm>>) target(%dma_start3A_261 : memref<64x64xf32, #tpu.memory_space<vmem>>) offsets(%dma_start3A_263 : memref<64xi32, #tpu.memory_space<vmem>>) semaphore(%arg17 : memref<!tpu.dma_semaphore, #tpu.memory_space<semaphore_mem>>)
      %mul3A_267 = arith.constant 64 : i32
      %mul3A_268 = arith.muli %add3A_11, %mul3A_267 : i32
      %dma_start3A_269 = arith.constant 19 : i32
      %dma_start3A_270 = arith.constant 19 : i32
      %dma_start3A_271 = arith.constant 0 : i32
      %dma_start3A_272 = arith.constant 0 : i32
      %dma_start3A_273 = tpu.memref_slice %arg14[%dma_start3A_270, %dma_start3A_271, %dma_start3A_272] : memref<20x64x64xf32, #tpu.memory_space<vmem>> -> memref<1x64x64xf32, #tpu.memory_space<vmem>>
      %dma_start3A_274 = tpu.memref_squeeze %dma_start3A_273 : memref<1x64x64xf32, #tpu.memory_space<vmem>> -> memref<64x64xf32, #tpu.memory_space<vmem>>
      %dma_start3A_275 = tpu.memref_slice %arg11[%dma_start3A_269, %mul3A_268] : memref<24x512xi32, #tpu.memory_space<vmem>> -> memref<1x64xi32, #tpu.memory_space<vmem>>
      %dma_start3A_276 = tpu.memref_squeeze %dma_start3A_275 : memref<1x64xi32, #tpu.memory_space<vmem>> -> memref<64xi32, #tpu.memory_space<vmem>>
      %dma_start3A_277 = arith.constant 0 : i32
      %dma_start3A_278 = arith.constant 0 : i32
      %dma_start3A_279 = tpu.memref_slice %arg6[%dma_start3A_277, %dma_start3A_278] : memref<1000000x64xf32, #tpu.memory_space<hbm>> -> memref<1000000x64xf32, #tpu.memory_space<hbm>>
      tpu.enqueue_indirect_dma source(%dma_start3A_279 : memref<1000000x64xf32, #tpu.memory_space<hbm>>) target(%dma_start3A_274 : memref<64x64xf32, #tpu.memory_space<vmem>>) offsets(%dma_start3A_276 : memref<64xi32, #tpu.memory_space<vmem>>) semaphore(%arg17 : memref<!tpu.dma_semaphore, #tpu.memory_space<semaphore_mem>>)
      %dma_wait3A = arith.constant 0 : i32
      %dma_wait3A_280 = arith.constant 0 : i32
      %dma_wait3A_281 = tpu.memref_slice %arg5[%dma_wait3A, %dma_wait3A_280] : memref<1000000x64xf32, #tpu.memory_space<hbm>> -> memref<1000000x64xf32, #tpu.memory_space<hbm>>
      tpu.wait_indirect_dma semaphore(%arg18 : memref<!tpu.dma_semaphore, #tpu.memory_space<semaphore_mem>>) src(%dma_wait3A_281 : memref<1000000x64xf32, #tpu.memory_space<hbm>>) dst(%arg12 : memref<64x64xf32, #tpu.memory_space<vmem>>)
      %dma_wait3A_282 = arith.constant 0 : i32
      %dma_wait3A_283 = arith.constant 0 : i32
      %dma_wait3A_284 = tpu.memref_slice %arg6[%dma_wait3A_282, %dma_wait3A_283] : memref<1000000x64xf32, #tpu.memory_space<hbm>> -> memref<1000000x64xf32, #tpu.memory_space<hbm>>
      tpu.wait_indirect_dma semaphore(%arg18 : memref<!tpu.dma_semaphore, #tpu.memory_space<semaphore_mem>>) src(%dma_wait3A_284 : memref<1000000x64xf32, #tpu.memory_space<hbm>>) dst(%arg13 : memref<64x64xf32, #tpu.memory_space<vmem>>)
      %dma_wait3A_285 = arith.constant 0 : i32
      %dma_wait3A_286 = arith.constant 0 : i32
      %dma_wait3A_287 = arith.constant 0 : i32
      %dma_wait3A_288 = arith.constant 0 : i32
      %dma_wait3A_289 = tpu.memref_slice %arg14[%dma_wait3A_286, %dma_wait3A_287, %dma_wait3A_288] : memref<20x64x64xf32, #tpu.memory_space<vmem>> -> memref<1x64x64xf32, #tpu.memory_space<vmem>>
      %dma_wait3A_290 = tpu.memref_squeeze %dma_wait3A_289 : memref<1x64x64xf32, #tpu.memory_space<vmem>> -> memref<64x64xf32, #tpu.memory_space<vmem>>
      %dma_wait3A_291 = tpu.memref_slice %arg11[%dma_wait3A_285, %mul3A_21] : memref<24x512xi32, #tpu.memory_space<vmem>> -> memref<1x64xi32, #tpu.memory_space<vmem>>
      %dma_wait3A_292 = tpu.memref_squeeze %dma_wait3A_291 : memref<1x64xi32, #tpu.memory_space<vmem>> -> memref<64xi32, #tpu.memory_space<vmem>>
      %dma_wait3A_293 = arith.constant 0 : i32
      %dma_wait3A_294 = arith.constant 0 : i32
      %dma_wait3A_295 = tpu.memref_slice %arg6[%dma_wait3A_293, %dma_wait3A_294] : memref<1000000x64xf32, #tpu.memory_space<hbm>> -> memref<1000000x64xf32, #tpu.memory_space<hbm>>
      tpu.wait_indirect_dma semaphore(%arg17 : memref<!tpu.dma_semaphore, #tpu.memory_space<semaphore_mem>>) src(%dma_wait3A_295 : memref<1000000x64xf32, #tpu.memory_space<hbm>>) dst(%dma_wait3A_290 : memref<64x64xf32, #tpu.memory_space<vmem>>)
      %dma_wait3A_296 = arith.constant 1 : i32
      %dma_wait3A_297 = arith.constant 1 : i32
      %dma_wait3A_298 = arith.constant 0 : i32
      %dma_wait3A_299 = arith.constant 0 : i32
      %dma_wait3A_300 = tpu.memref_slice %arg14[%dma_wait3A_297, %dma_wait3A_298, %dma_wait3A_299] : memref<20x64x64xf32, #tpu.memory_space<vmem>> -> memref<1x64x64xf32, #tpu.memory_space<vmem>>
      %dma_wait3A_301 = tpu.memref_squeeze %dma_wait3A_300 : memref<1x64x64xf32, #tpu.memory_space<vmem>> -> memref<64x64xf32, #tpu.memory_space<vmem>>
      %dma_wait3A_302 = tpu.memref_slice %arg11[%dma_wait3A_296, %mul3A_34] : memref<24x512xi32, #tpu.memory_space<vmem>> -> memref<1x64xi32, #tpu.memory_space<vmem>>
      %dma_wait3A_303 = tpu.memref_squeeze %dma_wait3A_302 : memref<1x64xi32, #tpu.memory_space<vmem>> -> memref<64xi32, #tpu.memory_space<vmem>>
      %dma_wait3A_304 = arith.constant 0 : i32
      %dma_wait3A_305 = arith.constant 0 : i32
      %dma_wait3A_306 = tpu.memref_slice %arg6[%dma_wait3A_304, %dma_wait3A_305] : memref<1000000x64xf32, #tpu.memory_space<hbm>> -> memref<1000000x64xf32, #tpu.memory_space<hbm>>
      tpu.wait_indirect_dma semaphore(%arg17 : memref<!tpu.dma_semaphore, #tpu.memory_space<semaphore_mem>>) src(%dma_wait3A_306 : memref<1000000x64xf32, #tpu.memory_space<hbm>>) dst(%dma_wait3A_301 : memref<64x64xf32, #tpu.memory_space<vmem>>)
      %dma_wait3A_307 = arith.constant 2 : i32
      %dma_wait3A_308 = arith.constant 2 : i32
      %dma_wait3A_309 = arith.constant 0 : i32
      %dma_wait3A_310 = arith.constant 0 : i32
      %dma_wait3A_311 = tpu.memref_slice %arg14[%dma_wait3A_308, %dma_wait3A_309, %dma_wait3A_310] : memref<20x64x64xf32, #tpu.memory_space<vmem>> -> memref<1x64x64xf32, #tpu.memory_space<vmem>>
      %dma_wait3A_312 = tpu.memref_squeeze %dma_wait3A_311 : memref<1x64x64xf32, #tpu.memory_space<vmem>> -> memref<64x64xf32, #tpu.memory_space<vmem>>
      %dma_wait3A_313 = tpu.memref_slice %arg11[%dma_wait3A_307, %mul3A_47] : memref<24x512xi32, #tpu.memory_space<vmem>> -> memref<1x64xi32, #tpu.memory_space<vmem>>
      %dma_wait3A_314 = tpu.memref_squeeze %dma_wait3A_313 : memref<1x64xi32, #tpu.memory_space<vmem>> -> memref<64xi32, #tpu.memory_space<vmem>>
      %dma_wait3A_315 = arith.constant 0 : i32
      %dma_wait3A_316 = arith.constant 0 : i32
      %dma_wait3A_317 = tpu.memref_slice %arg6[%dma_wait3A_315, %dma_wait3A_316] : memref<1000000x64xf32, #tpu.memory_space<hbm>> -> memref<1000000x64xf32, #tpu.memory_space<hbm>>
      tpu.wait_indirect_dma semaphore(%arg17 : memref<!tpu.dma_semaphore, #tpu.memory_space<semaphore_mem>>) src(%dma_wait3A_317 : memref<1000000x64xf32, #tpu.memory_space<hbm>>) dst(%dma_wait3A_312 : memref<64x64xf32, #tpu.memory_space<vmem>>)
      %dma_wait3A_318 = arith.constant 3 : i32
      %dma_wait3A_319 = arith.constant 3 : i32
      %dma_wait3A_320 = arith.constant 0 : i32
      %dma_wait3A_321 = arith.constant 0 : i32
      %dma_wait3A_322 = tpu.memref_slice %arg14[%dma_wait3A_319, %dma_wait3A_320, %dma_wait3A_321] : memref<20x64x64xf32, #tpu.memory_space<vmem>> -> memref<1x64x64xf32, #tpu.memory_space<vmem>>
      %dma_wait3A_323 = tpu.memref_squeeze %dma_wait3A_322 : memref<1x64x64xf32, #tpu.memory_space<vmem>> -> memref<64x64xf32, #tpu.memory_space<vmem>>
      %dma_wait3A_324 = tpu.memref_slice %arg11[%dma_wait3A_318, %mul3A_60] : memref<24x512xi32, #tpu.memory_space<vmem>> -> memref<1x64xi32, #tpu.memory_space<vmem>>
      %dma_wait3A_325 = tpu.memref_squeeze %dma_wait3A_324 : memref<1x64xi32, #tpu.memory_space<vmem>> -> memref<64xi32, #tpu.memory_space<vmem>>
      %dma_wait3A_326 = arith.constant 0 : i32
      %dma_wait3A_327 = arith.constant 0 : i32
      %dma_wait3A_328 = tpu.memref_slice %arg6[%dma_wait3A_326, %dma_wait3A_327] : memref<1000000x64xf32, #tpu.memory_space<hbm>> -> memref<1000000x64xf32, #tpu.memory_space<hbm>>
      tpu.wait_indirect_dma semaphore(%arg17 : memref<!tpu.dma_semaphore, #tpu.memory_space<semaphore_mem>>) src(%dma_wait3A_328 : memref<1000000x64xf32, #tpu.memory_space<hbm>>) dst(%dma_wait3A_323 : memref<64x64xf32, #tpu.memory_space<vmem>>)
      %dma_wait3A_329 = arith.constant 4 : i32
      %dma_wait3A_330 = arith.constant 4 : i32
      %dma_wait3A_331 = arith.constant 0 : i32
      %dma_wait3A_332 = arith.constant 0 : i32
      %dma_wait3A_333 = tpu.memref_slice %arg14[%dma_wait3A_330, %dma_wait3A_331, %dma_wait3A_332] : memref<20x64x64xf32, #tpu.memory_space<vmem>> -> memref<1x64x64xf32, #tpu.memory_space<vmem>>
      %dma_wait3A_334 = tpu.memref_squeeze %dma_wait3A_333 : memref<1x64x64xf32, #tpu.memory_space<vmem>> -> memref<64x64xf32, #tpu.memory_space<vmem>>
      %dma_wait3A_335 = tpu.memref_slice %arg11[%dma_wait3A_329, %mul3A_73] : memref<24x512xi32, #tpu.memory_space<vmem>> -> memref<1x64xi32, #tpu.memory_space<vmem>>
      %dma_wait3A_336 = tpu.memref_squeeze %dma_wait3A_335 : memref<1x64xi32, #tpu.memory_space<vmem>> -> memref<64xi32, #tpu.memory_space<vmem>>
      %dma_wait3A_337 = arith.constant 0 : i32
      %dma_wait3A_338 = arith.constant 0 : i32
      %dma_wait3A_339 = tpu.memref_slice %arg6[%dma_wait3A_337, %dma_wait3A_338] : memref<1000000x64xf32, #tpu.memory_space<hbm>> -> memref<1000000x64xf32, #tpu.memory_space<hbm>>
      tpu.wait_indirect_dma semaphore(%arg17 : memref<!tpu.dma_semaphore, #tpu.memory_space<semaphore_mem>>) src(%dma_wait3A_339 : memref<1000000x64xf32, #tpu.memory_space<hbm>>) dst(%dma_wait3A_334 : memref<64x64xf32, #tpu.memory_space<vmem>>)
      %dma_wait3A_340 = arith.constant 5 : i32
      %dma_wait3A_341 = arith.constant 5 : i32
      %dma_wait3A_342 = arith.constant 0 : i32
      %dma_wait3A_343 = arith.constant 0 : i32
      %dma_wait3A_344 = tpu.memref_slice %arg14[%dma_wait3A_341, %dma_wait3A_342, %dma_wait3A_343] : memref<20x64x64xf32, #tpu.memory_space<vmem>> -> memref<1x64x64xf32, #tpu.memory_space<vmem>>
      %dma_wait3A_345 = tpu.memref_squeeze %dma_wait3A_344 : memref<1x64x64xf32, #tpu.memory_space<vmem>> -> memref<64x64xf32, #tpu.memory_space<vmem>>
      %dma_wait3A_346 = tpu.memref_slice %arg11[%dma_wait3A_340, %mul3A_86] : memref<24x512xi32, #tpu.memory_space<vmem>> -> memref<1x64xi32, #tpu.memory_space<vmem>>
      %dma_wait3A_347 = tpu.memref_squeeze %dma_wait3A_346 : memref<1x64xi32, #tpu.memory_space<vmem>> -> memref<64xi32, #tpu.memory_space<vmem>>
      %dma_wait3A_348 = arith.constant 0 : i32
      %dma_wait3A_349 = arith.constant 0 : i32
      %dma_wait3A_350 = tpu.memref_slice %arg6[%dma_wait3A_348, %dma_wait3A_349] : memref<1000000x64xf32, #tpu.memory_space<hbm>> -> memref<1000000x64xf32, #tpu.memory_space<hbm>>
      tpu.wait_indirect_dma semaphore(%arg17 : memref<!tpu.dma_semaphore, #tpu.memory_space<semaphore_mem>>) src(%dma_wait3A_350 : memref<1000000x64xf32, #tpu.memory_space<hbm>>) dst(%dma_wait3A_345 : memref<64x64xf32, #tpu.memory_space<vmem>>)
      %dma_wait3A_351 = arith.constant 6 : i32
      %dma_wait3A_352 = arith.constant 6 : i32
      %dma_wait3A_353 = arith.constant 0 : i32
      %dma_wait3A_354 = arith.constant 0 : i32
      %dma_wait3A_355 = tpu.memref_slice %arg14[%dma_wait3A_352, %dma_wait3A_353, %dma_wait3A_354] : memref<20x64x64xf32, #tpu.memory_space<vmem>> -> memref<1x64x64xf32, #tpu.memory_space<vmem>>
      %dma_wait3A_356 = tpu.memref_squeeze %dma_wait3A_355 : memref<1x64x64xf32, #tpu.memory_space<vmem>> -> memref<64x64xf32, #tpu.memory_space<vmem>>
      %dma_wait3A_357 = tpu.memref_slice %arg11[%dma_wait3A_351, %mul3A_99] : memref<24x512xi32, #tpu.memory_space<vmem>> -> memref<1x64xi32, #tpu.memory_space<vmem>>
      %dma_wait3A_358 = tpu.memref_squeeze %dma_wait3A_357 : memref<1x64xi32, #tpu.memory_space<vmem>> -> memref<64xi32, #tpu.memory_space<vmem>>
      %dma_wait3A_359 = arith.constant 0 : i32
      %dma_wait3A_360 = arith.constant 0 : i32
      %dma_wait3A_361 = tpu.memref_slice %arg6[%dma_wait3A_359, %dma_wait3A_360] : memref<1000000x64xf32, #tpu.memory_space<hbm>> -> memref<1000000x64xf32, #tpu.memory_space<hbm>>
      tpu.wait_indirect_dma semaphore(%arg17 : memref<!tpu.dma_semaphore, #tpu.memory_space<semaphore_mem>>) src(%dma_wait3A_361 : memref<1000000x64xf32, #tpu.memory_space<hbm>>) dst(%dma_wait3A_356 : memref<64x64xf32, #tpu.memory_space<vmem>>)
      %dma_wait3A_362 = arith.constant 7 : i32
      %dma_wait3A_363 = arith.constant 7 : i32
      %dma_wait3A_364 = arith.constant 0 : i32
      %dma_wait3A_365 = arith.constant 0 : i32
      %dma_wait3A_366 = tpu.memref_slice %arg14[%dma_wait3A_363, %dma_wait3A_364, %dma_wait3A_365] : memref<20x64x64xf32, #tpu.memory_space<vmem>> -> memref<1x64x64xf32, #tpu.memory_space<vmem>>
      %dma_wait3A_367 = tpu.memref_squeeze %dma_wait3A_366 : memref<1x64x64xf32, #tpu.memory_space<vmem>> -> memref<64x64xf32, #tpu.memory_space<vmem>>
      %dma_wait3A_368 = tpu.memref_slice %arg11[%dma_wait3A_362, %mul3A_112] : memref<24x512xi32, #tpu.memory_space<vmem>> -> memref<1x64xi32, #tpu.memory_space<vmem>>
      %dma_wait3A_369 = tpu.memref_squeeze %dma_wait3A_368 : memref<1x64xi32, #tpu.memory_space<vmem>> -> memref<64xi32, #tpu.memory_space<vmem>>
      %dma_wait3A_370 = arith.constant 0 : i32
      %dma_wait3A_371 = arith.constant 0 : i32
      %dma_wait3A_372 = tpu.memref_slice %arg6[%dma_wait3A_370, %dma_wait3A_371] : memref<1000000x64xf32, #tpu.memory_space<hbm>> -> memref<1000000x64xf32, #tpu.memory_space<hbm>>
      tpu.wait_indirect_dma semaphore(%arg17 : memref<!tpu.dma_semaphore, #tpu.memory_space<semaphore_mem>>) src(%dma_wait3A_372 : memref<1000000x64xf32, #tpu.memory_space<hbm>>) dst(%dma_wait3A_367 : memref<64x64xf32, #tpu.memory_space<vmem>>)
      %dma_wait3A_373 = arith.constant 8 : i32
      %dma_wait3A_374 = arith.constant 8 : i32
      %dma_wait3A_375 = arith.constant 0 : i32
      %dma_wait3A_376 = arith.constant 0 : i32
      %dma_wait3A_377 = tpu.memref_slice %arg14[%dma_wait3A_374, %dma_wait3A_375, %dma_wait3A_376] : memref<20x64x64xf32, #tpu.memory_space<vmem>> -> memref<1x64x64xf32, #tpu.memory_space<vmem>>
      %dma_wait3A_378 = tpu.memref_squeeze %dma_wait3A_377 : memref<1x64x64xf32, #tpu.memory_space<vmem>> -> memref<64x64xf32, #tpu.memory_space<vmem>>
      %dma_wait3A_379 = tpu.memref_slice %arg11[%dma_wait3A_373, %mul3A_125] : memref<24x512xi32, #tpu.memory_space<vmem>> -> memref<1x64xi32, #tpu.memory_space<vmem>>
      %dma_wait3A_380 = tpu.memref_squeeze %dma_wait3A_379 : memref<1x64xi32, #tpu.memory_space<vmem>> -> memref<64xi32, #tpu.memory_space<vmem>>
      %dma_wait3A_381 = arith.constant 0 : i32
      %dma_wait3A_382 = arith.constant 0 : i32
      %dma_wait3A_383 = tpu.memref_slice %arg6[%dma_wait3A_381, %dma_wait3A_382] : memref<1000000x64xf32, #tpu.memory_space<hbm>> -> memref<1000000x64xf32, #tpu.memory_space<hbm>>
      tpu.wait_indirect_dma semaphore(%arg17 : memref<!tpu.dma_semaphore, #tpu.memory_space<semaphore_mem>>) src(%dma_wait3A_383 : memref<1000000x64xf32, #tpu.memory_space<hbm>>) dst(%dma_wait3A_378 : memref<64x64xf32, #tpu.memory_space<vmem>>)
      %dma_wait3A_384 = arith.constant 9 : i32
      %dma_wait3A_385 = arith.constant 9 : i32
      %dma_wait3A_386 = arith.constant 0 : i32
      %dma_wait3A_387 = arith.constant 0 : i32
      %dma_wait3A_388 = tpu.memref_slice %arg14[%dma_wait3A_385, %dma_wait3A_386, %dma_wait3A_387] : memref<20x64x64xf32, #tpu.memory_space<vmem>> -> memref<1x64x64xf32, #tpu.memory_space<vmem>>
      %dma_wait3A_389 = tpu.memref_squeeze %dma_wait3A_388 : memref<1x64x64xf32, #tpu.memory_space<vmem>> -> memref<64x64xf32, #tpu.memory_space<vmem>>
      %dma_wait3A_390 = tpu.memref_slice %arg11[%dma_wait3A_384, %mul3A_138] : memref<24x512xi32, #tpu.memory_space<vmem>> -> memref<1x64xi32, #tpu.memory_space<vmem>>
      %dma_wait3A_391 = tpu.memref_squeeze %dma_wait3A_390 : memref<1x64xi32, #tpu.memory_space<vmem>> -> memref<64xi32, #tpu.memory_space<vmem>>
      %dma_wait3A_392 = arith.constant 0 : i32
      %dma_wait3A_393 = arith.constant 0 : i32
      %dma_wait3A_394 = tpu.memref_slice %arg6[%dma_wait3A_392, %dma_wait3A_393] : memref<1000000x64xf32, #tpu.memory_space<hbm>> -> memref<1000000x64xf32, #tpu.memory_space<hbm>>
      tpu.wait_indirect_dma semaphore(%arg17 : memref<!tpu.dma_semaphore, #tpu.memory_space<semaphore_mem>>) src(%dma_wait3A_394 : memref<1000000x64xf32, #tpu.memory_space<hbm>>) dst(%dma_wait3A_389 : memref<64x64xf32, #tpu.memory_space<vmem>>)
      %dma_wait3A_395 = arith.constant 10 : i32
      %dma_wait3A_396 = arith.constant 10 : i32
      %dma_wait3A_397 = arith.constant 0 : i32
      %dma_wait3A_398 = arith.constant 0 : i32
      %dma_wait3A_399 = tpu.memref_slice %arg14[%dma_wait3A_396, %dma_wait3A_397, %dma_wait3A_398] : memref<20x64x64xf32, #tpu.memory_space<vmem>> -> memref<1x64x64xf32, #tpu.memory_space<vmem>>
      %dma_wait3A_400 = tpu.memref_squeeze %dma_wait3A_399 : memref<1x64x64xf32, #tpu.memory_space<vmem>> -> memref<64x64xf32, #tpu.memory_space<vmem>>
      %dma_wait3A_401 = tpu.memref_slice %arg11[%dma_wait3A_395, %mul3A_151] : memref<24x512xi32, #tpu.memory_space<vmem>> -> memref<1x64xi32, #tpu.memory_space<vmem>>
      %dma_wait3A_402 = tpu.memref_squeeze %dma_wait3A_401 : memref<1x64xi32, #tpu.memory_space<vmem>> -> memref<64xi32, #tpu.memory_space<vmem>>
      %dma_wait3A_403 = arith.constant 0 : i32
      %dma_wait3A_404 = arith.constant 0 : i32
      %dma_wait3A_405 = tpu.memref_slice %arg6[%dma_wait3A_403, %dma_wait3A_404] : memref<1000000x64xf32, #tpu.memory_space<hbm>> -> memref<1000000x64xf32, #tpu.memory_space<hbm>>
      tpu.wait_indirect_dma semaphore(%arg17 : memref<!tpu.dma_semaphore, #tpu.memory_space<semaphore_mem>>) src(%dma_wait3A_405 : memref<1000000x64xf32, #tpu.memory_space<hbm>>) dst(%dma_wait3A_400 : memref<64x64xf32, #tpu.memory_space<vmem>>)
      %dma_wait3A_406 = arith.constant 11 : i32
      %dma_wait3A_407 = arith.constant 11 : i32
      %dma_wait3A_408 = arith.constant 0 : i32
      %dma_wait3A_409 = arith.constant 0 : i32
      %dma_wait3A_410 = tpu.memref_slice %arg14[%dma_wait3A_407, %dma_wait3A_408, %dma_wait3A_409] : memref<20x64x64xf32, #tpu.memory_space<vmem>> -> memref<1x64x64xf32, #tpu.memory_space<vmem>>
      %dma_wait3A_411 = tpu.memref_squeeze %dma_wait3A_410 : memref<1x64x64xf32, #tpu.memory_space<vmem>> -> memref<64x64xf32, #tpu.memory_space<vmem>>
      %dma_wait3A_412 = tpu.memref_slice %arg11[%dma_wait3A_406, %mul3A_164] : memref<24x512xi32, #tpu.memory_space<vmem>> -> memref<1x64xi32, #tpu.memory_space<vmem>>
      %dma_wait3A_413 = tpu.memref_squeeze %dma_wait3A_412 : memref<1x64xi32, #tpu.memory_space<vmem>> -> memref<64xi32, #tpu.memory_space<vmem>>
      %dma_wait3A_414 = arith.constant 0 : i32
      %dma_wait3A_415 = arith.constant 0 : i32
      %dma_wait3A_416 = tpu.memref_slice %arg6[%dma_wait3A_414, %dma_wait3A_415] : memref<1000000x64xf32, #tpu.memory_space<hbm>> -> memref<1000000x64xf32, #tpu.memory_space<hbm>>
      tpu.wait_indirect_dma semaphore(%arg17 : memref<!tpu.dma_semaphore, #tpu.memory_space<semaphore_mem>>) src(%dma_wait3A_416 : memref<1000000x64xf32, #tpu.memory_space<hbm>>) dst(%dma_wait3A_411 : memref<64x64xf32, #tpu.memory_space<vmem>>)
      %dma_wait3A_417 = arith.constant 12 : i32
      %dma_wait3A_418 = arith.constant 12 : i32
      %dma_wait3A_419 = arith.constant 0 : i32
      %dma_wait3A_420 = arith.constant 0 : i32
      %dma_wait3A_421 = tpu.memref_slice %arg14[%dma_wait3A_418, %dma_wait3A_419, %dma_wait3A_420] : memref<20x64x64xf32, #tpu.memory_space<vmem>> -> memref<1x64x64xf32, #tpu.memory_space<vmem>>
      %dma_wait3A_422 = tpu.memref_squeeze %dma_wait3A_421 : memref<1x64x64xf32, #tpu.memory_space<vmem>> -> memref<64x64xf32, #tpu.memory_space<vmem>>
      %dma_wait3A_423 = tpu.memref_slice %arg11[%dma_wait3A_417, %mul3A_177] : memref<24x512xi32, #tpu.memory_space<vmem>> -> memref<1x64xi32, #tpu.memory_space<vmem>>
      %dma_wait3A_424 = tpu.memref_squeeze %dma_wait3A_423 : memref<1x64xi32, #tpu.memory_space<vmem>> -> memref<64xi32, #tpu.memory_space<vmem>>
      %dma_wait3A_425 = arith.constant 0 : i32
      %dma_wait3A_426 = arith.constant 0 : i32
      %dma_wait3A_427 = tpu.memref_slice %arg6[%dma_wait3A_425, %dma_wait3A_426] : memref<1000000x64xf32, #tpu.memory_space<hbm>> -> memref<1000000x64xf32, #tpu.memory_space<hbm>>
      tpu.wait_indirect_dma semaphore(%arg17 : memref<!tpu.dma_semaphore, #tpu.memory_space<semaphore_mem>>) src(%dma_wait3A_427 : memref<1000000x64xf32, #tpu.memory_space<hbm>>) dst(%dma_wait3A_422 : memref<64x64xf32, #tpu.memory_space<vmem>>)
      %dma_wait3A_428 = arith.constant 13 : i32
      %dma_wait3A_429 = arith.constant 13 : i32
      %dma_wait3A_430 = arith.constant 0 : i32
      %dma_wait3A_431 = arith.constant 0 : i32
      %dma_wait3A_432 = tpu.memref_slice %arg14[%dma_wait3A_429, %dma_wait3A_430, %dma_wait3A_431] : memref<20x64x64xf32, #tpu.memory_space<vmem>> -> memref<1x64x64xf32, #tpu.memory_space<vmem>>
      %dma_wait3A_433 = tpu.memref_squeeze %dma_wait3A_432 : memref<1x64x64xf32, #tpu.memory_space<vmem>> -> memref<64x64xf32, #tpu.memory_space<vmem>>
      %dma_wait3A_434 = tpu.memref_slice %arg11[%dma_wait3A_428, %mul3A_190] : memref<24x512xi32, #tpu.memory_space<vmem>> -> memref<1x64xi32, #tpu.memory_space<vmem>>
      %dma_wait3A_435 = tpu.memref_squeeze %dma_wait3A_434 : memref<1x64xi32, #tpu.memory_space<vmem>> -> memref<64xi32, #tpu.memory_space<vmem>>
      %dma_wait3A_436 = arith.constant 0 : i32
      %dma_wait3A_437 = arith.constant 0 : i32
      %dma_wait3A_438 = tpu.memref_slice %arg6[%dma_wait3A_436, %dma_wait3A_437] : memref<1000000x64xf32, #tpu.memory_space<hbm>> -> memref<1000000x64xf32, #tpu.memory_space<hbm>>
      tpu.wait_indirect_dma semaphore(%arg17 : memref<!tpu.dma_semaphore, #tpu.memory_space<semaphore_mem>>) src(%dma_wait3A_438 : memref<1000000x64xf32, #tpu.memory_space<hbm>>) dst(%dma_wait3A_433 : memref<64x64xf32, #tpu.memory_space<vmem>>)
      %dma_wait3A_439 = arith.constant 14 : i32
      %dma_wait3A_440 = arith.constant 14 : i32
      %dma_wait3A_441 = arith.constant 0 : i32
      %dma_wait3A_442 = arith.constant 0 : i32
      %dma_wait3A_443 = tpu.memref_slice %arg14[%dma_wait3A_440, %dma_wait3A_441, %dma_wait3A_442] : memref<20x64x64xf32, #tpu.memory_space<vmem>> -> memref<1x64x64xf32, #tpu.memory_space<vmem>>
      %dma_wait3A_444 = tpu.memref_squeeze %dma_wait3A_443 : memref<1x64x64xf32, #tpu.memory_space<vmem>> -> memref<64x64xf32, #tpu.memory_space<vmem>>
      %dma_wait3A_445 = tpu.memref_slice %arg11[%dma_wait3A_439, %mul3A_203] : memref<24x512xi32, #tpu.memory_space<vmem>> -> memref<1x64xi32, #tpu.memory_space<vmem>>
      %dma_wait3A_446 = tpu.memref_squeeze %dma_wait3A_445 : memref<1x64xi32, #tpu.memory_space<vmem>> -> memref<64xi32, #tpu.memory_space<vmem>>
      %dma_wait3A_447 = arith.constant 0 : i32
      %dma_wait3A_448 = arith.constant 0 : i32
      %dma_wait3A_449 = tpu.memref_slice %arg6[%dma_wait3A_447, %dma_wait3A_448] : memref<1000000x64xf32, #tpu.memory_space<hbm>> -> memref<1000000x64xf32, #tpu.memory_space<hbm>>
      tpu.wait_indirect_dma semaphore(%arg17 : memref<!tpu.dma_semaphore, #tpu.memory_space<semaphore_mem>>) src(%dma_wait3A_449 : memref<1000000x64xf32, #tpu.memory_space<hbm>>) dst(%dma_wait3A_444 : memref<64x64xf32, #tpu.memory_space<vmem>>)
      %dma_wait3A_450 = arith.constant 15 : i32
      %dma_wait3A_451 = arith.constant 15 : i32
      %dma_wait3A_452 = arith.constant 0 : i32
      %dma_wait3A_453 = arith.constant 0 : i32
      %dma_wait3A_454 = tpu.memref_slice %arg14[%dma_wait3A_451, %dma_wait3A_452, %dma_wait3A_453] : memref<20x64x64xf32, #tpu.memory_space<vmem>> -> memref<1x64x64xf32, #tpu.memory_space<vmem>>
      %dma_wait3A_455 = tpu.memref_squeeze %dma_wait3A_454 : memref<1x64x64xf32, #tpu.memory_space<vmem>> -> memref<64x64xf32, #tpu.memory_space<vmem>>
      %dma_wait3A_456 = tpu.memref_slice %arg11[%dma_wait3A_450, %mul3A_216] : memref<24x512xi32, #tpu.memory_space<vmem>> -> memref<1x64xi32, #tpu.memory_space<vmem>>
      %dma_wait3A_457 = tpu.memref_squeeze %dma_wait3A_456 : memref<1x64xi32, #tpu.memory_space<vmem>> -> memref<64xi32, #tpu.memory_space<vmem>>
      %dma_wait3A_458 = arith.constant 0 : i32
      %dma_wait3A_459 = arith.constant 0 : i32
      %dma_wait3A_460 = tpu.memref_slice %arg6[%dma_wait3A_458, %dma_wait3A_459] : memref<1000000x64xf32, #tpu.memory_space<hbm>> -> memref<1000000x64xf32, #tpu.memory_space<hbm>>
      tpu.wait_indirect_dma semaphore(%arg17 : memref<!tpu.dma_semaphore, #tpu.memory_space<semaphore_mem>>) src(%dma_wait3A_460 : memref<1000000x64xf32, #tpu.memory_space<hbm>>) dst(%dma_wait3A_455 : memref<64x64xf32, #tpu.memory_space<vmem>>)
      %dma_wait3A_461 = arith.constant 16 : i32
      %dma_wait3A_462 = arith.constant 16 : i32
      %dma_wait3A_463 = arith.constant 0 : i32
      %dma_wait3A_464 = arith.constant 0 : i32
      %dma_wait3A_465 = tpu.memref_slice %arg14[%dma_wait3A_462, %dma_wait3A_463, %dma_wait3A_464] : memref<20x64x64xf32, #tpu.memory_space<vmem>> -> memref<1x64x64xf32, #tpu.memory_space<vmem>>
      %dma_wait3A_466 = tpu.memref_squeeze %dma_wait3A_465 : memref<1x64x64xf32, #tpu.memory_space<vmem>> -> memref<64x64xf32, #tpu.memory_space<vmem>>
      %dma_wait3A_467 = tpu.memref_slice %arg11[%dma_wait3A_461, %mul3A_229] : memref<24x512xi32, #tpu.memory_space<vmem>> -> memref<1x64xi32, #tpu.memory_space<vmem>>
      %dma_wait3A_468 = tpu.memref_squeeze %dma_wait3A_467 : memref<1x64xi32, #tpu.memory_space<vmem>> -> memref<64xi32, #tpu.memory_space<vmem>>
      %dma_wait3A_469 = arith.constant 0 : i32
      %dma_wait3A_470 = arith.constant 0 : i32
      %dma_wait3A_471 = tpu.memref_slice %arg6[%dma_wait3A_469, %dma_wait3A_470] : memref<1000000x64xf32, #tpu.memory_space<hbm>> -> memref<1000000x64xf32, #tpu.memory_space<hbm>>
      tpu.wait_indirect_dma semaphore(%arg17 : memref<!tpu.dma_semaphore, #tpu.memory_space<semaphore_mem>>) src(%dma_wait3A_471 : memref<1000000x64xf32, #tpu.memory_space<hbm>>) dst(%dma_wait3A_466 : memref<64x64xf32, #tpu.memory_space<vmem>>)
      %dma_wait3A_472 = arith.constant 17 : i32
      %dma_wait3A_473 = arith.constant 17 : i32
      %dma_wait3A_474 = arith.constant 0 : i32
      %dma_wait3A_475 = arith.constant 0 : i32
      %dma_wait3A_476 = tpu.memref_slice %arg14[%dma_wait3A_473, %dma_wait3A_474, %dma_wait3A_475] : memref<20x64x64xf32, #tpu.memory_space<vmem>> -> memref<1x64x64xf32, #tpu.memory_space<vmem>>
      %dma_wait3A_477 = tpu.memref_squeeze %dma_wait3A_476 : memref<1x64x64xf32, #tpu.memory_space<vmem>> -> memref<64x64xf32, #tpu.memory_space<vmem>>
      %dma_wait3A_478 = tpu.memref_slice %arg11[%dma_wait3A_472, %mul3A_242] : memref<24x512xi32, #tpu.memory_space<vmem>> -> memref<1x64xi32, #tpu.memory_space<vmem>>
      %dma_wait3A_479 = tpu.memref_squeeze %dma_wait3A_478 : memref<1x64xi32, #tpu.memory_space<vmem>> -> memref<64xi32, #tpu.memory_space<vmem>>
      %dma_wait3A_480 = arith.constant 0 : i32
      %dma_wait3A_481 = arith.constant 0 : i32
      %dma_wait3A_482 = tpu.memref_slice %arg6[%dma_wait3A_480, %dma_wait3A_481] : memref<1000000x64xf32, #tpu.memory_space<hbm>> -> memref<1000000x64xf32, #tpu.memory_space<hbm>>
      tpu.wait_indirect_dma semaphore(%arg17 : memref<!tpu.dma_semaphore, #tpu.memory_space<semaphore_mem>>) src(%dma_wait3A_482 : memref<1000000x64xf32, #tpu.memory_space<hbm>>) dst(%dma_wait3A_477 : memref<64x64xf32, #tpu.memory_space<vmem>>)
      %dma_wait3A_483 = arith.constant 18 : i32
      %dma_wait3A_484 = arith.constant 18 : i32
      %dma_wait3A_485 = arith.constant 0 : i32
      %dma_wait3A_486 = arith.constant 0 : i32
      %dma_wait3A_487 = tpu.memref_slice %arg14[%dma_wait3A_484, %dma_wait3A_485, %dma_wait3A_486] : memref<20x64x64xf32, #tpu.memory_space<vmem>> -> memref<1x64x64xf32, #tpu.memory_space<vmem>>
      %dma_wait3A_488 = tpu.memref_squeeze %dma_wait3A_487 : memref<1x64x64xf32, #tpu.memory_space<vmem>> -> memref<64x64xf32, #tpu.memory_space<vmem>>
      %dma_wait3A_489 = tpu.memref_slice %arg11[%dma_wait3A_483, %mul3A_255] : memref<24x512xi32, #tpu.memory_space<vmem>> -> memref<1x64xi32, #tpu.memory_space<vmem>>
      %dma_wait3A_490 = tpu.memref_squeeze %dma_wait3A_489 : memref<1x64xi32, #tpu.memory_space<vmem>> -> memref<64xi32, #tpu.memory_space<vmem>>
      %dma_wait3A_491 = arith.constant 0 : i32
      %dma_wait3A_492 = arith.constant 0 : i32
      %dma_wait3A_493 = tpu.memref_slice %arg6[%dma_wait3A_491, %dma_wait3A_492] : memref<1000000x64xf32, #tpu.memory_space<hbm>> -> memref<1000000x64xf32, #tpu.memory_space<hbm>>
      tpu.wait_indirect_dma semaphore(%arg17 : memref<!tpu.dma_semaphore, #tpu.memory_space<semaphore_mem>>) src(%dma_wait3A_493 : memref<1000000x64xf32, #tpu.memory_space<hbm>>) dst(%dma_wait3A_488 : memref<64x64xf32, #tpu.memory_space<vmem>>)
      %dma_wait3A_494 = arith.constant 19 : i32
      %dma_wait3A_495 = arith.constant 19 : i32
      %dma_wait3A_496 = arith.constant 0 : i32
      %dma_wait3A_497 = arith.constant 0 : i32
      %dma_wait3A_498 = tpu.memref_slice %arg14[%dma_wait3A_495, %dma_wait3A_496, %dma_wait3A_497] : memref<20x64x64xf32, #tpu.memory_space<vmem>> -> memref<1x64x64xf32, #tpu.memory_space<vmem>>
      %dma_wait3A_499 = tpu.memref_squeeze %dma_wait3A_498 : memref<1x64x64xf32, #tpu.memory_space<vmem>> -> memref<64x64xf32, #tpu.memory_space<vmem>>
      %dma_wait3A_500 = tpu.memref_slice %arg11[%dma_wait3A_494, %mul3A_268] : memref<24x512xi32, #tpu.memory_space<vmem>> -> memref<1x64xi32, #tpu.memory_space<vmem>>
      %dma_wait3A_501 = tpu.memref_squeeze %dma_wait3A_500 : memref<1x64xi32, #tpu.memory_space<vmem>> -> memref<64xi32, #tpu.memory_space<vmem>>
      %dma_wait3A_502 = arith.constant 0 : i32
      %dma_wait3A_503 = arith.constant 0 : i32
      %dma_wait3A_504 = tpu.memref_slice %arg6[%dma_wait3A_502, %dma_wait3A_503] : memref<1000000x64xf32, #tpu.memory_space<hbm>> -> memref<1000000x64xf32, #tpu.memory_space<hbm>>
      tpu.wait_indirect_dma semaphore(%arg17 : memref<!tpu.dma_semaphore, #tpu.memory_space<semaphore_mem>>) src(%dma_wait3A_504 : memref<1000000x64xf32, #tpu.memory_space<hbm>>) dst(%dma_wait3A_499 : memref<64x64xf32, #tpu.memory_space<vmem>>)
      %iota3A = tpu.iota {dimensions = array<i32: 0>} : vector<16xi32>
      %broadcast_in_dim3A = arith.constant 0.000000e+00 : f32
      %broadcast_in_dim3A_505 = vector.broadcast %broadcast_in_dim3A : f32 to vector<16xf32>
      %scan3A_506 = arith.constant 0 : i32
      %scan3A_507 = arith.constant 64 : i32
      %scan3A_508 = arith.addi %scan3A_506, %scan3A_507 : i32
      %scan3A_509 = arith.constant 1 : i32
      %scan3A_510:2 = scf.for %scan3A_512 = %scan3A_506 to %scan3A_508 step %scan3A_509 iter_args(%scan3A_513 = %broadcast_in_dim3A_505, %scan3A_514 = %broadcast_in_dim3A_505) -> (vector<16xf32>, vector<16xf32>)  : i32 {
        %mul3A_515 = arith.constant 1 : i32
        %mul3A_516 = arith.muli %scan3A_512, %mul3A_515 : i32
        %add3A_517 = arith.constant 0 : i32
        %add3A_518 = arith.addi %add3A_517, %mul3A_516 : i32
        %get3A = arith.index_cast %add3A_518 : i32 to index
        %get3A_519 = arith.constant 0 : index
        %get3A_520 = tpu.vector_load %arg12[%get3A, %get3A_519] {strides = array<i32>} : memref<64x64xf32, #tpu.memory_space<vmem>>, vector<1x16xf32>,
        %get3A_521 = vector.shape_cast %get3A_520 : vector<1x16xf32> to vector<16xf32>
        %get3A_522 = arith.index_cast %add3A_518 : i32 to index
        %get3A_523 = arith.constant 16 : index
        %get3A_524 = tpu.vector_load %arg12[%get3A_522, %get3A_523] {strides = array<i32>} : memref<64x64xf32, #tpu.memory_space<vmem>>, vector<1x16xf32>,
        %get3A_525 = vector.shape_cast %get3A_524 : vector<1x16xf32> to vector<16xf32>
        %get3A_526 = arith.index_cast %add3A_518 : i32 to index
        %get3A_527 = arith.constant 32 : index
        %get3A_528 = tpu.vector_load %arg12[%get3A_526, %get3A_527] {strides = array<i32>} : memref<64x64xf32, #tpu.memory_space<vmem>>, vector<1x16xf32>,
        %get3A_529 = vector.shape_cast %get3A_528 : vector<1x16xf32> to vector<16xf32>
        %get3A_530 = arith.index_cast %add3A_518 : i32 to index
        %get3A_531 = arith.constant 48 : index
        %get3A_532 = tpu.vector_load %arg12[%get3A_530, %get3A_531] {strides = array<i32>} : memref<64x64xf32, #tpu.memory_space<vmem>>, vector<1x16xf32>,
        %get3A_533 = vector.shape_cast %get3A_532 : vector<1x16xf32> to vector<16xf32>
        %get3A_534 = arith.index_cast %add3A_518 : i32 to index
        %get3A_535 = arith.constant 0 : index
        %get3A_536 = tpu.vector_load %arg13[%get3A_534, %get3A_535] {strides = array<i32>} : memref<64x64xf32, #tpu.memory_space<vmem>>, vector<1x16xf32>,
        %get3A_537 = vector.shape_cast %get3A_536 : vector<1x16xf32> to vector<16xf32>
        %get3A_538 = arith.index_cast %add3A_518 : i32 to index
        %get3A_539 = arith.constant 16 : index
        %get3A_540 = tpu.vector_load %arg13[%get3A_538, %get3A_539] {strides = array<i32>} : memref<64x64xf32, #tpu.memory_space<vmem>>, vector<1x16xf32>,
        %get3A_541 = vector.shape_cast %get3A_540 : vector<1x16xf32> to vector<16xf32>
        %get3A_542 = arith.index_cast %add3A_518 : i32 to index
        %get3A_543 = arith.constant 32 : index
        %get3A_544 = tpu.vector_load %arg13[%get3A_542, %get3A_543] {strides = array<i32>} : memref<64x64xf32, #tpu.memory_space<vmem>>, vector<1x16xf32>,
        %get3A_545 = vector.shape_cast %get3A_544 : vector<1x16xf32> to vector<16xf32>
        %get3A_546 = arith.index_cast %add3A_518 : i32 to index
        %get3A_547 = arith.constant 48 : index
        %get3A_548 = tpu.vector_load %arg13[%get3A_546, %get3A_547] {strides = array<i32>} : memref<64x64xf32, #tpu.memory_space<vmem>>, vector<1x16xf32>,
        %get3A_549 = vector.shape_cast %get3A_548 : vector<1x16xf32> to vector<16xf32>
        %mul3A_550 = arith.mulf %get3A_521, %get3A_537 : vector<16xf32>
        %mul3A_551 = arith.mulf %get3A_525, %get3A_541 : vector<16xf32>
        %add3A_552 = arith.addf %mul3A_550, %mul3A_551 : vector<16xf32>
        %mul3A_553 = arith.mulf %get3A_529, %get3A_545 : vector<16xf32>
        %add3A_554 = arith.addf %add3A_552, %mul3A_553 : vector<16xf32>
        %mul3A_555 = arith.mulf %get3A_533, %get3A_549 : vector<16xf32>
        %add3A_556 = arith.addf %add3A_554, %mul3A_555 : vector<16xf32>
        %get3A_557 = arith.constant 0 : i32
        %get3A_558 = arith.index_cast %get3A_557 : i32 to index
        %get3A_559 = arith.index_cast %add3A_518 : i32 to index
        %get3A_560 = arith.constant 0 : index
        %get3A_561 = tpu.vector_load %arg14[%get3A_558, %get3A_559, %get3A_560] {strides = array<i32>} : memref<20x64x64xf32, #tpu.memory_space<vmem>>, vector<1x1x16xf32>,
        %get3A_562 = vector.shape_cast %get3A_561 : vector<1x1x16xf32> to vector<16xf32>
        %get3A_563 = arith.constant 0 : i32
        %get3A_564 = arith.index_cast %get3A_563 : i32 to index
        %get3A_565 = arith.index_cast %add3A_518 : i32 to index
        %get3A_566 = arith.constant 16 : index
        %get3A_567 = tpu.vector_load %arg14[%get3A_564, %get3A_565, %get3A_566] {strides = array<i32>} : memref<20x64x64xf32, #tpu.memory_space<vmem>>, vector<1x1x16xf32>,
        %get3A_568 = vector.shape_cast %get3A_567 : vector<1x1x16xf32> to vector<16xf32>
        %get3A_569 = arith.constant 0 : i32
        %get3A_570 = arith.index_cast %get3A_569 : i32 to index
        %get3A_571 = arith.index_cast %add3A_518 : i32 to index
        %get3A_572 = arith.constant 32 : index
        %get3A_573 = tpu.vector_load %arg14[%get3A_570, %get3A_571, %get3A_572] {strides = array<i32>} : memref<20x64x64xf32, #tpu.memory_space<vmem>>, vector<1x1x16xf32>,
        %get3A_574 = vector.shape_cast %get3A_573 : vector<1x1x16xf32> to vector<16xf32>
        %get3A_575 = arith.constant 0 : i32
        %get3A_576 = arith.index_cast %get3A_575 : i32 to index
        %get3A_577 = arith.index_cast %add3A_518 : i32 to index
        %get3A_578 = arith.constant 48 : index
        %get3A_579 = tpu.vector_load %arg14[%get3A_576, %get3A_577, %get3A_578] {strides = array<i32>} : memref<20x64x64xf32, #tpu.memory_space<vmem>>, vector<1x1x16xf32>,
        %get3A_580 = vector.shape_cast %get3A_579 : vector<1x1x16xf32> to vector<16xf32>
        %get3A_581 = arith.constant 1 : i32
        %get3A_582 = arith.index_cast %get3A_581 : i32 to index
        %get3A_583 = arith.index_cast %add3A_518 : i32 to index
        %get3A_584 = arith.constant 0 : index
        %get3A_585 = tpu.vector_load %arg14[%get3A_582, %get3A_583, %get3A_584] {strides = array<i32>} : memref<20x64x64xf32, #tpu.memory_space<vmem>>, vector<1x1x16xf32>,
        %get3A_586 = vector.shape_cast %get3A_585 : vector<1x1x16xf32> to vector<16xf32>
        %add3A_587 = arith.addf %get3A_562, %get3A_586 : vector<16xf32>
        %get3A_588 = arith.constant 1 : i32
        %get3A_589 = arith.index_cast %get3A_588 : i32 to index
        %get3A_590 = arith.index_cast %add3A_518 : i32 to index
        %get3A_591 = arith.constant 16 : index
        %get3A_592 = tpu.vector_load %arg14[%get3A_589, %get3A_590, %get3A_591] {strides = array<i32>} : memref<20x64x64xf32, #tpu.memory_space<vmem>>, vector<1x1x16xf32>,
        %get3A_593 = vector.shape_cast %get3A_592 : vector<1x1x16xf32> to vector<16xf32>
        %add3A_594 = arith.addf %get3A_568, %get3A_593 : vector<16xf32>
        %get3A_595 = arith.constant 1 : i32
        %get3A_596 = arith.index_cast %get3A_595 : i32 to index
        %get3A_597 = arith.index_cast %add3A_518 : i32 to index
        %get3A_598 = arith.constant 32 : index
        %get3A_599 = tpu.vector_load %arg14[%get3A_596, %get3A_597, %get3A_598] {strides = array<i32>} : memref<20x64x64xf32, #tpu.memory_space<vmem>>, vector<1x1x16xf32>,
        %get3A_600 = vector.shape_cast %get3A_599 : vector<1x1x16xf32> to vector<16xf32>
        %add3A_601 = arith.addf %get3A_574, %get3A_600 : vector<16xf32>
        %get3A_602 = arith.constant 1 : i32
        %get3A_603 = arith.index_cast %get3A_602 : i32 to index
        %get3A_604 = arith.index_cast %add3A_518 : i32 to index
        %get3A_605 = arith.constant 48 : index
        %get3A_606 = tpu.vector_load %arg14[%get3A_603, %get3A_604, %get3A_605] {strides = array<i32>} : memref<20x64x64xf32, #tpu.memory_space<vmem>>, vector<1x1x16xf32>,
        %get3A_607 = vector.shape_cast %get3A_606 : vector<1x1x16xf32> to vector<16xf32>
        %add3A_608 = arith.addf %get3A_580, %get3A_607 : vector<16xf32>
        %get3A_609 = arith.constant 2 : i32
        %get3A_610 = arith.index_cast %get3A_609 : i32 to index
        %get3A_611 = arith.index_cast %add3A_518 : i32 to index
        %get3A_612 = arith.constant 0 : index
        %get3A_613 = tpu.vector_load %arg14[%get3A_610, %get3A_611, %get3A_612] {strides = array<i32>} : memref<20x64x64xf32, #tpu.memory_space<vmem>>, vector<1x1x16xf32>,
        %get3A_614 = vector.shape_cast %get3A_613 : vector<1x1x16xf32> to vector<16xf32>
        %add3A_615 = arith.addf %add3A_587, %get3A_614 : vector<16xf32>
        %get3A_616 = arith.constant 2 : i32
        %get3A_617 = arith.index_cast %get3A_616 : i32 to index
        %get3A_618 = arith.index_cast %add3A_518 : i32 to index
        %get3A_619 = arith.constant 16 : index
        %get3A_620 = tpu.vector_load %arg14[%get3A_617, %get3A_618, %get3A_619] {strides = array<i32>} : memref<20x64x64xf32, #tpu.memory_space<vmem>>, vector<1x1x16xf32>,
        %get3A_621 = vector.shape_cast %get3A_620 : vector<1x1x16xf32> to vector<16xf32>
        %add3A_622 = arith.addf %add3A_594, %get3A_621 : vector<16xf32>
        %get3A_623 = arith.constant 2 : i32
        %get3A_624 = arith.index_cast %get3A_623 : i32 to index
        %get3A_625 = arith.index_cast %add3A_518 : i32 to index
        %get3A_626 = arith.constant 32 : index
        %get3A_627 = tpu.vector_load %arg14[%get3A_624, %get3A_625, %get3A_626] {strides = array<i32>} : memref<20x64x64xf32, #tpu.memory_space<vmem>>, vector<1x1x16xf32>,
        %get3A_628 = vector.shape_cast %get3A_627 : vector<1x1x16xf32> to vector<16xf32>
        %add3A_629 = arith.addf %add3A_601, %get3A_628 : vector<16xf32>
        %get3A_630 = arith.constant 2 : i32
        %get3A_631 = arith.index_cast %get3A_630 : i32 to index
        %get3A_632 = arith.index_cast %add3A_518 : i32 to index
        %get3A_633 = arith.constant 48 : index
        %get3A_634 = tpu.vector_load %arg14[%get3A_631, %get3A_632, %get3A_633] {strides = array<i32>} : memref<20x64x64xf32, #tpu.memory_space<vmem>>, vector<1x1x16xf32>,
        %get3A_635 = vector.shape_cast %get3A_634 : vector<1x1x16xf32> to vector<16xf32>
        %add3A_636 = arith.addf %add3A_608, %get3A_635 : vector<16xf32>
        %get3A_637 = arith.constant 3 : i32
        %get3A_638 = arith.index_cast %get3A_637 : i32 to index
        %get3A_639 = arith.index_cast %add3A_518 : i32 to index
        %get3A_640 = arith.constant 0 : index
        %get3A_641 = tpu.vector_load %arg14[%get3A_638, %get3A_639, %get3A_640] {strides = array<i32>} : memref<20x64x64xf32, #tpu.memory_space<vmem>>, vector<1x1x16xf32>,
        %get3A_642 = vector.shape_cast %get3A_641 : vector<1x1x16xf32> to vector<16xf32>
        %add3A_643 = arith.addf %add3A_615, %get3A_642 : vector<16xf32>
        %get3A_644 = arith.constant 3 : i32
        %get3A_645 = arith.index_cast %get3A_644 : i32 to index
        %get3A_646 = arith.index_cast %add3A_518 : i32 to index
        %get3A_647 = arith.constant 16 : index
        %get3A_648 = tpu.vector_load %arg14[%get3A_645, %get3A_646, %get3A_647] {strides = array<i32>} : memref<20x64x64xf32, #tpu.memory_space<vmem>>, vector<1x1x16xf32>,
        %get3A_649 = vector.shape_cast %get3A_648 : vector<1x1x16xf32> to vector<16xf32>
        %add3A_650 = arith.addf %add3A_622, %get3A_649 : vector<16xf32>
        %get3A_651 = arith.constant 3 : i32
        %get3A_652 = arith.index_cast %get3A_651 : i32 to index
        %get3A_653 = arith.index_cast %add3A_518 : i32 to index
        %get3A_654 = arith.constant 32 : index
        %get3A_655 = tpu.vector_load %arg14[%get3A_652, %get3A_653, %get3A_654] {strides = array<i32>} : memref<20x64x64xf32, #tpu.memory_space<vmem>>, vector<1x1x16xf32>,
        %get3A_656 = vector.shape_cast %get3A_655 : vector<1x1x16xf32> to vector<16xf32>
        %add3A_657 = arith.addf %add3A_629, %get3A_656 : vector<16xf32>
        %get3A_658 = arith.constant 3 : i32
        %get3A_659 = arith.index_cast %get3A_658 : i32 to index
        %get3A_660 = arith.index_cast %add3A_518 : i32 to index
        %get3A_661 = arith.constant 48 : index
        %get3A_662 = tpu.vector_load %arg14[%get3A_659, %get3A_660, %get3A_661] {strides = array<i32>} : memref<20x64x64xf32, #tpu.memory_space<vmem>>, vector<1x1x16xf32>,
        %get3A_663 = vector.shape_cast %get3A_662 : vector<1x1x16xf32> to vector<16xf32>
        %add3A_664 = arith.addf %add3A_636, %get3A_663 : vector<16xf32>
        %get3A_665 = arith.constant 4 : i32
        %get3A_666 = arith.index_cast %get3A_665 : i32 to index
        %get3A_667 = arith.index_cast %add3A_518 : i32 to index
        %get3A_668 = arith.constant 0 : index
        %get3A_669 = tpu.vector_load %arg14[%get3A_666, %get3A_667, %get3A_668] {strides = array<i32>} : memref<20x64x64xf32, #tpu.memory_space<vmem>>, vector<1x1x16xf32>,
        %get3A_670 = vector.shape_cast %get3A_669 : vector<1x1x16xf32> to vector<16xf32>
        %add3A_671 = arith.addf %add3A_643, %get3A_670 : vector<16xf32>
        %get3A_672 = arith.constant 4 : i32
        %get3A_673 = arith.index_cast %get3A_672 : i32 to index
        %get3A_674 = arith.index_cast %add3A_518 : i32 to index
        %get3A_675 = arith.constant 16 : index
        %get3A_676 = tpu.vector_load %arg14[%get3A_673, %get3A_674, %get3A_675] {strides = array<i32>} : memref<20x64x64xf32, #tpu.memory_space<vmem>>, vector<1x1x16xf32>,
        %get3A_677 = vector.shape_cast %get3A_676 : vector<1x1x16xf32> to vector<16xf32>
        %add3A_678 = arith.addf %add3A_650, %get3A_677 : vector<16xf32>
        %get3A_679 = arith.constant 4 : i32
        %get3A_680 = arith.index_cast %get3A_679 : i32 to index
        %get3A_681 = arith.index_cast %add3A_518 : i32 to index
        %get3A_682 = arith.constant 32 : index
        %get3A_683 = tpu.vector_load %arg14[%get3A_680, %get3A_681, %get3A_682] {strides = array<i32>} : memref<20x64x64xf32, #tpu.memory_space<vmem>>, vector<1x1x16xf32>,
        %get3A_684 = vector.shape_cast %get3A_683 : vector<1x1x16xf32> to vector<16xf32>
        %add3A_685 = arith.addf %add3A_657, %get3A_684 : vector<16xf32>
        %get3A_686 = arith.constant 4 : i32
        %get3A_687 = arith.index_cast %get3A_686 : i32 to index
        %get3A_688 = arith.index_cast %add3A_518 : i32 to index
        %get3A_689 = arith.constant 48 : index
        %get3A_690 = tpu.vector_load %arg14[%get3A_687, %get3A_688, %get3A_689] {strides = array<i32>} : memref<20x64x64xf32, #tpu.memory_space<vmem>>, vector<1x1x16xf32>,
        %get3A_691 = vector.shape_cast %get3A_690 : vector<1x1x16xf32> to vector<16xf32>
        %add3A_692 = arith.addf %add3A_664, %get3A_691 : vector<16xf32>
        %get3A_693 = arith.constant 5 : i32
        %get3A_694 = arith.index_cast %get3A_693 : i32 to index
        %get3A_695 = arith.index_cast %add3A_518 : i32 to index
        %get3A_696 = arith.constant 0 : index
        %get3A_697 = tpu.vector_load %arg14[%get3A_694, %get3A_695, %get3A_696] {strides = array<i32>} : memref<20x64x64xf32, #tpu.memory_space<vmem>>, vector<1x1x16xf32>,
        %get3A_698 = vector.shape_cast %get3A_697 : vector<1x1x16xf32> to vector<16xf32>
        %add3A_699 = arith.addf %add3A_671, %get3A_698 : vector<16xf32>
        %get3A_700 = arith.constant 5 : i32
        %get3A_701 = arith.index_cast %get3A_700 : i32 to index
        %get3A_702 = arith.index_cast %add3A_518 : i32 to index
        %get3A_703 = arith.constant 16 : index
        %get3A_704 = tpu.vector_load %arg14[%get3A_701, %get3A_702, %get3A_703] {strides = array<i32>} : memref<20x64x64xf32, #tpu.memory_space<vmem>>, vector<1x1x16xf32>,
        %get3A_705 = vector.shape_cast %get3A_704 : vector<1x1x16xf32> to vector<16xf32>
        %add3A_706 = arith.addf %add3A_678, %get3A_705 : vector<16xf32>
        %get3A_707 = arith.constant 5 : i32
        %get3A_708 = arith.index_cast %get3A_707 : i32 to index
        %get3A_709 = arith.index_cast %add3A_518 : i32 to index
        %get3A_710 = arith.constant 32 : index
        %get3A_711 = tpu.vector_load %arg14[%get3A_708, %get3A_709, %get3A_710] {strides = array<i32>} : memref<20x64x64xf32, #tpu.memory_space<vmem>>, vector<1x1x16xf32>,
        %get3A_712 = vector.shape_cast %get3A_711 : vector<1x1x16xf32> to vector<16xf32>
        %add3A_713 = arith.addf %add3A_685, %get3A_712 : vector<16xf32>
        %get3A_714 = arith.constant 5 : i32
        %get3A_715 = arith.index_cast %get3A_714 : i32 to index
        %get3A_716 = arith.index_cast %add3A_518 : i32 to index
        %get3A_717 = arith.constant 48 : index
        %get3A_718 = tpu.vector_load %arg14[%get3A_715, %get3A_716, %get3A_717] {strides = array<i32>} : memref<20x64x64xf32, #tpu.memory_space<vmem>>, vector<1x1x16xf32>,
        %get3A_719 = vector.shape_cast %get3A_718 : vector<1x1x16xf32> to vector<16xf32>
        %add3A_720 = arith.addf %add3A_692, %get3A_719 : vector<16xf32>
        %get3A_721 = arith.constant 6 : i32
        %get3A_722 = arith.index_cast %get3A_721 : i32 to index
        %get3A_723 = arith.index_cast %add3A_518 : i32 to index
        %get3A_724 = arith.constant 0 : index
        %get3A_725 = tpu.vector_load %arg14[%get3A_722, %get3A_723, %get3A_724] {strides = array<i32>} : memref<20x64x64xf32, #tpu.memory_space<vmem>>, vector<1x1x16xf32>,
        %get3A_726 = vector.shape_cast %get3A_725 : vector<1x1x16xf32> to vector<16xf32>
        %add3A_727 = arith.addf %add3A_699, %get3A_726 : vector<16xf32>
        %get3A_728 = arith.constant 6 : i32
        %get3A_729 = arith.index_cast %get3A_728 : i32 to index
        %get3A_730 = arith.index_cast %add3A_518 : i32 to index
        %get3A_731 = arith.constant 16 : index
        %get3A_732 = tpu.vector_load %arg14[%get3A_729, %get3A_730, %get3A_731] {strides = array<i32>} : memref<20x64x64xf32, #tpu.memory_space<vmem>>, vector<1x1x16xf32>,
        %get3A_733 = vector.shape_cast %get3A_732 : vector<1x1x16xf32> to vector<16xf32>
        %add3A_734 = arith.addf %add3A_706, %get3A_733 : vector<16xf32>
        %get3A_735 = arith.constant 6 : i32
        %get3A_736 = arith.index_cast %get3A_735 : i32 to index
        %get3A_737 = arith.index_cast %add3A_518 : i32 to index
        %get3A_738 = arith.constant 32 : index
        %get3A_739 = tpu.vector_load %arg14[%get3A_736, %get3A_737, %get3A_738] {strides = array<i32>} : memref<20x64x64xf32, #tpu.memory_space<vmem>>, vector<1x1x16xf32>,
        %get3A_740 = vector.shape_cast %get3A_739 : vector<1x1x16xf32> to vector<16xf32>
        %add3A_741 = arith.addf %add3A_713, %get3A_740 : vector<16xf32>
        %get3A_742 = arith.constant 6 : i32
        %get3A_743 = arith.index_cast %get3A_742 : i32 to index
        %get3A_744 = arith.index_cast %add3A_518 : i32 to index
        %get3A_745 = arith.constant 48 : index
        %get3A_746 = tpu.vector_load %arg14[%get3A_743, %get3A_744, %get3A_745] {strides = array<i32>} : memref<20x64x64xf32, #tpu.memory_space<vmem>>, vector<1x1x16xf32>,
        %get3A_747 = vector.shape_cast %get3A_746 : vector<1x1x16xf32> to vector<16xf32>
        %add3A_748 = arith.addf %add3A_720, %get3A_747 : vector<16xf32>
        %get3A_749 = arith.constant 7 : i32
        %get3A_750 = arith.index_cast %get3A_749 : i32 to index
        %get3A_751 = arith.index_cast %add3A_518 : i32 to index
        %get3A_752 = arith.constant 0 : index
        %get3A_753 = tpu.vector_load %arg14[%get3A_750, %get3A_751, %get3A_752] {strides = array<i32>} : memref<20x64x64xf32, #tpu.memory_space<vmem>>, vector<1x1x16xf32>,
        %get3A_754 = vector.shape_cast %get3A_753 : vector<1x1x16xf32> to vector<16xf32>
        %add3A_755 = arith.addf %add3A_727, %get3A_754 : vector<16xf32>
        %get3A_756 = arith.constant 7 : i32
        %get3A_757 = arith.index_cast %get3A_756 : i32 to index
        %get3A_758 = arith.index_cast %add3A_518 : i32 to index
        %get3A_759 = arith.constant 16 : index
        %get3A_760 = tpu.vector_load %arg14[%get3A_757, %get3A_758, %get3A_759] {strides = array<i32>} : memref<20x64x64xf32, #tpu.memory_space<vmem>>, vector<1x1x16xf32>,
        %get3A_761 = vector.shape_cast %get3A_760 : vector<1x1x16xf32> to vector<16xf32>
        %add3A_762 = arith.addf %add3A_734, %get3A_761 : vector<16xf32>
        %get3A_763 = arith.constant 7 : i32
        %get3A_764 = arith.index_cast %get3A_763 : i32 to index
        %get3A_765 = arith.index_cast %add3A_518 : i32 to index
        %get3A_766 = arith.constant 32 : index
        %get3A_767 = tpu.vector_load %arg14[%get3A_764, %get3A_765, %get3A_766] {strides = array<i32>} : memref<20x64x64xf32, #tpu.memory_space<vmem>>, vector<1x1x16xf32>,
        %get3A_768 = vector.shape_cast %get3A_767 : vector<1x1x16xf32> to vector<16xf32>
        %add3A_769 = arith.addf %add3A_741, %get3A_768 : vector<16xf32>
        %get3A_770 = arith.constant 7 : i32
        %get3A_771 = arith.index_cast %get3A_770 : i32 to index
        %get3A_772 = arith.index_cast %add3A_518 : i32 to index
        %get3A_773 = arith.constant 48 : index
        %get3A_774 = tpu.vector_load %arg14[%get3A_771, %get3A_772, %get3A_773] {strides = array<i32>} : memref<20x64x64xf32, #tpu.memory_space<vmem>>, vector<1x1x16xf32>,
        %get3A_775 = vector.shape_cast %get3A_774 : vector<1x1x16xf32> to vector<16xf32>
        %add3A_776 = arith.addf %add3A_748, %get3A_775 : vector<16xf32>
        %get3A_777 = arith.constant 8 : i32
        %get3A_778 = arith.index_cast %get3A_777 : i32 to index
        %get3A_779 = arith.index_cast %add3A_518 : i32 to index
        %get3A_780 = arith.constant 0 : index
        %get3A_781 = tpu.vector_load %arg14[%get3A_778, %get3A_779, %get3A_780] {strides = array<i32>} : memref<20x64x64xf32, #tpu.memory_space<vmem>>, vector<1x1x16xf32>,
        %get3A_782 = vector.shape_cast %get3A_781 : vector<1x1x16xf32> to vector<16xf32>
        %add3A_783 = arith.addf %add3A_755, %get3A_782 : vector<16xf32>
        %get3A_784 = arith.constant 8 : i32
        %get3A_785 = arith.index_cast %get3A_784 : i32 to index
        %get3A_786 = arith.index_cast %add3A_518 : i32 to index
        %get3A_787 = arith.constant 16 : index
        %get3A_788 = tpu.vector_load %arg14[%get3A_785, %get3A_786, %get3A_787] {strides = array<i32>} : memref<20x64x64xf32, #tpu.memory_space<vmem>>, vector<1x1x16xf32>,
        %get3A_789 = vector.shape_cast %get3A_788 : vector<1x1x16xf32> to vector<16xf32>
        %add3A_790 = arith.addf %add3A_762, %get3A_789 : vector<16xf32>
        %get3A_791 = arith.constant 8 : i32
        %get3A_792 = arith.index_cast %get3A_791 : i32 to index
        %get3A_793 = arith.index_cast %add3A_518 : i32 to index
        %get3A_794 = arith.constant 32 : index
        %get3A_795 = tpu.vector_load %arg14[%get3A_792, %get3A_793, %get3A_794] {strides = array<i32>} : memref<20x64x64xf32, #tpu.memory_space<vmem>>, vector<1x1x16xf32>,
        %get3A_796 = vector.shape_cast %get3A_795 : vector<1x1x16xf32> to vector<16xf32>
        %add3A_797 = arith.addf %add3A_769, %get3A_796 : vector<16xf32>
        %get3A_798 = arith.constant 8 : i32
        %get3A_799 = arith.index_cast %get3A_798 : i32 to index
        %get3A_800 = arith.index_cast %add3A_518 : i32 to index
        %get3A_801 = arith.constant 48 : index
        %get3A_802 = tpu.vector_load %arg14[%get3A_799, %get3A_800, %get3A_801] {strides = array<i32>} : memref<20x64x64xf32, #tpu.memory_space<vmem>>, vector<1x1x16xf32>,
        %get3A_803 = vector.shape_cast %get3A_802 : vector<1x1x16xf32> to vector<16xf32>
        %add3A_804 = arith.addf %add3A_776, %get3A_803 : vector<16xf32>
        %get3A_805 = arith.constant 9 : i32
        %get3A_806 = arith.index_cast %get3A_805 : i32 to index
        %get3A_807 = arith.index_cast %add3A_518 : i32 to index
        %get3A_808 = arith.constant 0 : index
        %get3A_809 = tpu.vector_load %arg14[%get3A_806, %get3A_807, %get3A_808] {strides = array<i32>} : memref<20x64x64xf32, #tpu.memory_space<vmem>>, vector<1x1x16xf32>,
        %get3A_810 = vector.shape_cast %get3A_809 : vector<1x1x16xf32> to vector<16xf32>
        %add3A_811 = arith.addf %add3A_783, %get3A_810 : vector<16xf32>
        %get3A_812 = arith.constant 9 : i32
        %get3A_813 = arith.index_cast %get3A_812 : i32 to index
        %get3A_814 = arith.index_cast %add3A_518 : i32 to index
        %get3A_815 = arith.constant 16 : index
        %get3A_816 = tpu.vector_load %arg14[%get3A_813, %get3A_814, %get3A_815] {strides = array<i32>} : memref<20x64x64xf32, #tpu.memory_space<vmem>>, vector<1x1x16xf32>,
        %get3A_817 = vector.shape_cast %get3A_816 : vector<1x1x16xf32> to vector<16xf32>
        %add3A_818 = arith.addf %add3A_790, %get3A_817 : vector<16xf32>
        %get3A_819 = arith.constant 9 : i32
        %get3A_820 = arith.index_cast %get3A_819 : i32 to index
        %get3A_821 = arith.index_cast %add3A_518 : i32 to index
        %get3A_822 = arith.constant 32 : index
        %get3A_823 = tpu.vector_load %arg14[%get3A_820, %get3A_821, %get3A_822] {strides = array<i32>} : memref<20x64x64xf32, #tpu.memory_space<vmem>>, vector<1x1x16xf32>,
        %get3A_824 = vector.shape_cast %get3A_823 : vector<1x1x16xf32> to vector<16xf32>
        %add3A_825 = arith.addf %add3A_797, %get3A_824 : vector<16xf32>
        %get3A_826 = arith.constant 9 : i32
        %get3A_827 = arith.index_cast %get3A_826 : i32 to index
        %get3A_828 = arith.index_cast %add3A_518 : i32 to index
        %get3A_829 = arith.constant 48 : index
        %get3A_830 = tpu.vector_load %arg14[%get3A_827, %get3A_828, %get3A_829] {strides = array<i32>} : memref<20x64x64xf32, #tpu.memory_space<vmem>>, vector<1x1x16xf32>,
        %get3A_831 = vector.shape_cast %get3A_830 : vector<1x1x16xf32> to vector<16xf32>
        %add3A_832 = arith.addf %add3A_804, %get3A_831 : vector<16xf32>
        %get3A_833 = arith.constant 10 : i32
        %get3A_834 = arith.index_cast %get3A_833 : i32 to index
        %get3A_835 = arith.index_cast %add3A_518 : i32 to index
        %get3A_836 = arith.constant 0 : index
        %get3A_837 = tpu.vector_load %arg14[%get3A_834, %get3A_835, %get3A_836] {strides = array<i32>} : memref<20x64x64xf32, #tpu.memory_space<vmem>>, vector<1x1x16xf32>,
        %get3A_838 = vector.shape_cast %get3A_837 : vector<1x1x16xf32> to vector<16xf32>
        %add3A_839 = arith.addf %add3A_811, %get3A_838 : vector<16xf32>
        %get3A_840 = arith.constant 10 : i32
        %get3A_841 = arith.index_cast %get3A_840 : i32 to index
        %get3A_842 = arith.index_cast %add3A_518 : i32 to index
        %get3A_843 = arith.constant 16 : index
        %get3A_844 = tpu.vector_load %arg14[%get3A_841, %get3A_842, %get3A_843] {strides = array<i32>} : memref<20x64x64xf32, #tpu.memory_space<vmem>>, vector<1x1x16xf32>,
        %get3A_845 = vector.shape_cast %get3A_844 : vector<1x1x16xf32> to vector<16xf32>
        %add3A_846 = arith.addf %add3A_818, %get3A_845 : vector<16xf32>
        %get3A_847 = arith.constant 10 : i32
        %get3A_848 = arith.index_cast %get3A_847 : i32 to index
        %get3A_849 = arith.index_cast %add3A_518 : i32 to index
        %get3A_850 = arith.constant 32 : index
        %get3A_851 = tpu.vector_load %arg14[%get3A_848, %get3A_849, %get3A_850] {strides = array<i32>} : memref<20x64x64xf32, #tpu.memory_space<vmem>>, vector<1x1x16xf32>,
        %get3A_852 = vector.shape_cast %get3A_851 : vector<1x1x16xf32> to vector<16xf32>
        %add3A_853 = arith.addf %add3A_825, %get3A_852 : vector<16xf32>
        %get3A_854 = arith.constant 10 : i32
        %get3A_855 = arith.index_cast %get3A_854 : i32 to index
        %get3A_856 = arith.index_cast %add3A_518 : i32 to index
        %get3A_857 = arith.constant 48 : index
        %get3A_858 = tpu.vector_load %arg14[%get3A_855, %get3A_856, %get3A_857] {strides = array<i32>} : memref<20x64x64xf32, #tpu.memory_space<vmem>>, vector<1x1x16xf32>,
        %get3A_859 = vector.shape_cast %get3A_858 : vector<1x1x16xf32> to vector<16xf32>
        %add3A_860 = arith.addf %add3A_832, %get3A_859 : vector<16xf32>
        %get3A_861 = arith.constant 11 : i32
        %get3A_862 = arith.index_cast %get3A_861 : i32 to index
        %get3A_863 = arith.index_cast %add3A_518 : i32 to index
        %get3A_864 = arith.constant 0 : index
        %get3A_865 = tpu.vector_load %arg14[%get3A_862, %get3A_863, %get3A_864] {strides = array<i32>} : memref<20x64x64xf32, #tpu.memory_space<vmem>>, vector<1x1x16xf32>,
        %get3A_866 = vector.shape_cast %get3A_865 : vector<1x1x16xf32> to vector<16xf32>
        %add3A_867 = arith.addf %add3A_839, %get3A_866 : vector<16xf32>
        %get3A_868 = arith.constant 11 : i32
        %get3A_869 = arith.index_cast %get3A_868 : i32 to index
        %get3A_870 = arith.index_cast %add3A_518 : i32 to index
        %get3A_871 = arith.constant 16 : index
        %get3A_872 = tpu.vector_load %arg14[%get3A_869, %get3A_870, %get3A_871] {strides = array<i32>} : memref<20x64x64xf32, #tpu.memory_space<vmem>>, vector<1x1x16xf32>,
        %get3A_873 = vector.shape_cast %get3A_872 : vector<1x1x16xf32> to vector<16xf32>
        %add3A_874 = arith.addf %add3A_846, %get3A_873 : vector<16xf32>
        %get3A_875 = arith.constant 11 : i32
        %get3A_876 = arith.index_cast %get3A_875 : i32 to index
        %get3A_877 = arith.index_cast %add3A_518 : i32 to index
        %get3A_878 = arith.constant 32 : index
        %get3A_879 = tpu.vector_load %arg14[%get3A_876, %get3A_877, %get3A_878] {strides = array<i32>} : memref<20x64x64xf32, #tpu.memory_space<vmem>>, vector<1x1x16xf32>,
        %get3A_880 = vector.shape_cast %get3A_879 : vector<1x1x16xf32> to vector<16xf32>
        %add3A_881 = arith.addf %add3A_853, %get3A_880 : vector<16xf32>
        %get3A_882 = arith.constant 11 : i32
        %get3A_883 = arith.index_cast %get3A_882 : i32 to index
        %get3A_884 = arith.index_cast %add3A_518 : i32 to index
        %get3A_885 = arith.constant 48 : index
        %get3A_886 = tpu.vector_load %arg14[%get3A_883, %get3A_884, %get3A_885] {strides = array<i32>} : memref<20x64x64xf32, #tpu.memory_space<vmem>>, vector<1x1x16xf32>,
        %get3A_887 = vector.shape_cast %get3A_886 : vector<1x1x16xf32> to vector<16xf32>
        %add3A_888 = arith.addf %add3A_860, %get3A_887 : vector<16xf32>
        %get3A_889 = arith.constant 12 : i32
        %get3A_890 = arith.index_cast %get3A_889 : i32 to index
        %get3A_891 = arith.index_cast %add3A_518 : i32 to index
        %get3A_892 = arith.constant 0 : index
        %get3A_893 = tpu.vector_load %arg14[%get3A_890, %get3A_891, %get3A_892] {strides = array<i32>} : memref<20x64x64xf32, #tpu.memory_space<vmem>>, vector<1x1x16xf32>,
        %get3A_894 = vector.shape_cast %get3A_893 : vector<1x1x16xf32> to vector<16xf32>
        %add3A_895 = arith.addf %add3A_867, %get3A_894 : vector<16xf32>
        %get3A_896 = arith.constant 12 : i32
        %get3A_897 = arith.index_cast %get3A_896 : i32 to index
        %get3A_898 = arith.index_cast %add3A_518 : i32 to index
        %get3A_899 = arith.constant 16 : index
        %get3A_900 = tpu.vector_load %arg14[%get3A_897, %get3A_898, %get3A_899] {strides = array<i32>} : memref<20x64x64xf32, #tpu.memory_space<vmem>>, vector<1x1x16xf32>,
        %get3A_901 = vector.shape_cast %get3A_900 : vector<1x1x16xf32> to vector<16xf32>
        %add3A_902 = arith.addf %add3A_874, %get3A_901 : vector<16xf32>
        %get3A_903 = arith.constant 12 : i32
        %get3A_904 = arith.index_cast %get3A_903 : i32 to index
        %get3A_905 = arith.index_cast %add3A_518 : i32 to index
        %get3A_906 = arith.constant 32 : index
        %get3A_907 = tpu.vector_load %arg14[%get3A_904, %get3A_905, %get3A_906] {strides = array<i32>} : memref<20x64x64xf32, #tpu.memory_space<vmem>>, vector<1x1x16xf32>,
        %get3A_908 = vector.shape_cast %get3A_907 : vector<1x1x16xf32> to vector<16xf32>
        %add3A_909 = arith.addf %add3A_881, %get3A_908 : vector<16xf32>
        %get3A_910 = arith.constant 12 : i32
        %get3A_911 = arith.index_cast %get3A_910 : i32 to index
        %get3A_912 = arith.index_cast %add3A_518 : i32 to index
        %get3A_913 = arith.constant 48 : index
        %get3A_914 = tpu.vector_load %arg14[%get3A_911, %get3A_912, %get3A_913] {strides = array<i32>} : memref<20x64x64xf32, #tpu.memory_space<vmem>>, vector<1x1x16xf32>,
        %get3A_915 = vector.shape_cast %get3A_914 : vector<1x1x16xf32> to vector<16xf32>
        %add3A_916 = arith.addf %add3A_888, %get3A_915 : vector<16xf32>
        %get3A_917 = arith.constant 13 : i32
        %get3A_918 = arith.index_cast %get3A_917 : i32 to index
        %get3A_919 = arith.index_cast %add3A_518 : i32 to index
        %get3A_920 = arith.constant 0 : index
        %get3A_921 = tpu.vector_load %arg14[%get3A_918, %get3A_919, %get3A_920] {strides = array<i32>} : memref<20x64x64xf32, #tpu.memory_space<vmem>>, vector<1x1x16xf32>,
        %get3A_922 = vector.shape_cast %get3A_921 : vector<1x1x16xf32> to vector<16xf32>
        %add3A_923 = arith.addf %add3A_895, %get3A_922 : vector<16xf32>
        %get3A_924 = arith.constant 13 : i32
        %get3A_925 = arith.index_cast %get3A_924 : i32 to index
        %get3A_926 = arith.index_cast %add3A_518 : i32 to index
        %get3A_927 = arith.constant 16 : index
        %get3A_928 = tpu.vector_load %arg14[%get3A_925, %get3A_926, %get3A_927] {strides = array<i32>} : memref<20x64x64xf32, #tpu.memory_space<vmem>>, vector<1x1x16xf32>,
        %get3A_929 = vector.shape_cast %get3A_928 : vector<1x1x16xf32> to vector<16xf32>
        %add3A_930 = arith.addf %add3A_902, %get3A_929 : vector<16xf32>
        %get3A_931 = arith.constant 13 : i32
        %get3A_932 = arith.index_cast %get3A_931 : i32 to index
        %get3A_933 = arith.index_cast %add3A_518 : i32 to index
        %get3A_934 = arith.constant 32 : index
        %get3A_935 = tpu.vector_load %arg14[%get3A_932, %get3A_933, %get3A_934] {strides = array<i32>} : memref<20x64x64xf32, #tpu.memory_space<vmem>>, vector<1x1x16xf32>,
        %get3A_936 = vector.shape_cast %get3A_935 : vector<1x1x16xf32> to vector<16xf32>
        %add3A_937 = arith.addf %add3A_909, %get3A_936 : vector<16xf32>
        %get3A_938 = arith.constant 13 : i32
        %get3A_939 = arith.index_cast %get3A_938 : i32 to index
        %get3A_940 = arith.index_cast %add3A_518 : i32 to index
        %get3A_941 = arith.constant 48 : index
        %get3A_942 = tpu.vector_load %arg14[%get3A_939, %get3A_940, %get3A_941] {strides = array<i32>} : memref<20x64x64xf32, #tpu.memory_space<vmem>>, vector<1x1x16xf32>,
        %get3A_943 = vector.shape_cast %get3A_942 : vector<1x1x16xf32> to vector<16xf32>
        %add3A_944 = arith.addf %add3A_916, %get3A_943 : vector<16xf32>
        %get3A_945 = arith.constant 14 : i32
        %get3A_946 = arith.index_cast %get3A_945 : i32 to index
        %get3A_947 = arith.index_cast %add3A_518 : i32 to index
        %get3A_948 = arith.constant 0 : index
        %get3A_949 = tpu.vector_load %arg14[%get3A_946, %get3A_947, %get3A_948] {strides = array<i32>} : memref<20x64x64xf32, #tpu.memory_space<vmem>>, vector<1x1x16xf32>,
        %get3A_950 = vector.shape_cast %get3A_949 : vector<1x1x16xf32> to vector<16xf32>
        %add3A_951 = arith.addf %add3A_923, %get3A_950 : vector<16xf32>
        %get3A_952 = arith.constant 14 : i32
        %get3A_953 = arith.index_cast %get3A_952 : i32 to index
        %get3A_954 = arith.index_cast %add3A_518 : i32 to index
        %get3A_955 = arith.constant 16 : index
        %get3A_956 = tpu.vector_load %arg14[%get3A_953, %get3A_954, %get3A_955] {strides = array<i32>} : memref<20x64x64xf32, #tpu.memory_space<vmem>>, vector<1x1x16xf32>,
        %get3A_957 = vector.shape_cast %get3A_956 : vector<1x1x16xf32> to vector<16xf32>
        %add3A_958 = arith.addf %add3A_930, %get3A_957 : vector<16xf32>
        %get3A_959 = arith.constant 14 : i32
        %get3A_960 = arith.index_cast %get3A_959 : i32 to index
        %get3A_961 = arith.index_cast %add3A_518 : i32 to index
        %get3A_962 = arith.constant 32 : index
        %get3A_963 = tpu.vector_load %arg14[%get3A_960, %get3A_961, %get3A_962] {strides = array<i32>} : memref<20x64x64xf32, #tpu.memory_space<vmem>>, vector<1x1x16xf32>,
        %get3A_964 = vector.shape_cast %get3A_963 : vector<1x1x16xf32> to vector<16xf32>
        %add3A_965 = arith.addf %add3A_937, %get3A_964 : vector<16xf32>
        %get3A_966 = arith.constant 14 : i32
        %get3A_967 = arith.index_cast %get3A_966 : i32 to index
        %get3A_968 = arith.index_cast %add3A_518 : i32 to index
        %get3A_969 = arith.constant 48 : index
        %get3A_970 = tpu.vector_load %arg14[%get3A_967, %get3A_968, %get3A_969] {strides = array<i32>} : memref<20x64x64xf32, #tpu.memory_space<vmem>>, vector<1x1x16xf32>,
        %get3A_971 = vector.shape_cast %get3A_970 : vector<1x1x16xf32> to vector<16xf32>
        %add3A_972 = arith.addf %add3A_944, %get3A_971 : vector<16xf32>
        %get3A_973 = arith.constant 15 : i32
        %get3A_974 = arith.index_cast %get3A_973 : i32 to index
        %get3A_975 = arith.index_cast %add3A_518 : i32 to index
        %get3A_976 = arith.constant 0 : index
        %get3A_977 = tpu.vector_load %arg14[%get3A_974, %get3A_975, %get3A_976] {strides = array<i32>} : memref<20x64x64xf32, #tpu.memory_space<vmem>>, vector<1x1x16xf32>,
        %get3A_978 = vector.shape_cast %get3A_977 : vector<1x1x16xf32> to vector<16xf32>
        %add3A_979 = arith.addf %add3A_951, %get3A_978 : vector<16xf32>
        %get3A_980 = arith.constant 15 : i32
        %get3A_981 = arith.index_cast %get3A_980 : i32 to index
        %get3A_982 = arith.index_cast %add3A_518 : i32 to index
        %get3A_983 = arith.constant 16 : index
        %get3A_984 = tpu.vector_load %arg14[%get3A_981, %get3A_982, %get3A_983] {strides = array<i32>} : memref<20x64x64xf32, #tpu.memory_space<vmem>>, vector<1x1x16xf32>,
        %get3A_985 = vector.shape_cast %get3A_984 : vector<1x1x16xf32> to vector<16xf32>
        %add3A_986 = arith.addf %add3A_958, %get3A_985 : vector<16xf32>
        %get3A_987 = arith.constant 15 : i32
        %get3A_988 = arith.index_cast %get3A_987 : i32 to index
        %get3A_989 = arith.index_cast %add3A_518 : i32 to index
        %get3A_990 = arith.constant 32 : index
        %get3A_991 = tpu.vector_load %arg14[%get3A_988, %get3A_989, %get3A_990] {strides = array<i32>} : memref<20x64x64xf32, #tpu.memory_space<vmem>>, vector<1x1x16xf32>,
        %get3A_992 = vector.shape_cast %get3A_991 : vector<1x1x16xf32> to vector<16xf32>
        %add3A_993 = arith.addf %add3A_965, %get3A_992 : vector<16xf32>
        %get3A_994 = arith.constant 15 : i32
        %get3A_995 = arith.index_cast %get3A_994 : i32 to index
        %get3A_996 = arith.index_cast %add3A_518 : i32 to index
        %get3A_997 = arith.constant 48 : index
        %get3A_998 = tpu.vector_load %arg14[%get3A_995, %get3A_996, %get3A_997] {strides = array<i32>} : memref<20x64x64xf32, #tpu.memory_space<vmem>>, vector<1x1x16xf32>,
        %get3A_999 = vector.shape_cast %get3A_998 : vector<1x1x16xf32> to vector<16xf32>
        %add3A_1000 = arith.addf %add3A_972, %get3A_999 : vector<16xf32>
        %get3A_1001 = arith.constant 16 : i32
        %get3A_1002 = arith.index_cast %get3A_1001 : i32 to index
        %get3A_1003 = arith.index_cast %add3A_518 : i32 to index
        %get3A_1004 = arith.constant 0 : index
        %get3A_1005 = tpu.vector_load %arg14[%get3A_1002, %get3A_1003, %get3A_1004] {strides = array<i32>} : memref<20x64x64xf32, #tpu.memory_space<vmem>>, vector<1x1x16xf32>,
        %get3A_1006 = vector.shape_cast %get3A_1005 : vector<1x1x16xf32> to vector<16xf32>
        %add3A_1007 = arith.addf %add3A_979, %get3A_1006 : vector<16xf32>
        %get3A_1008 = arith.constant 16 : i32
        %get3A_1009 = arith.index_cast %get3A_1008 : i32 to index
        %get3A_1010 = arith.index_cast %add3A_518 : i32 to index
        %get3A_1011 = arith.constant 16 : index
        %get3A_1012 = tpu.vector_load %arg14[%get3A_1009, %get3A_1010, %get3A_1011] {strides = array<i32>} : memref<20x64x64xf32, #tpu.memory_space<vmem>>, vector<1x1x16xf32>,
        %get3A_1013 = vector.shape_cast %get3A_1012 : vector<1x1x16xf32> to vector<16xf32>
        %add3A_1014 = arith.addf %add3A_986, %get3A_1013 : vector<16xf32>
        %get3A_1015 = arith.constant 16 : i32
        %get3A_1016 = arith.index_cast %get3A_1015 : i32 to index
        %get3A_1017 = arith.index_cast %add3A_518 : i32 to index
        %get3A_1018 = arith.constant 32 : index
        %get3A_1019 = tpu.vector_load %arg14[%get3A_1016, %get3A_1017, %get3A_1018] {strides = array<i32>} : memref<20x64x64xf32, #tpu.memory_space<vmem>>, vector<1x1x16xf32>,
        %get3A_1020 = vector.shape_cast %get3A_1019 : vector<1x1x16xf32> to vector<16xf32>
        %add3A_1021 = arith.addf %add3A_993, %get3A_1020 : vector<16xf32>
        %get3A_1022 = arith.constant 16 : i32
        %get3A_1023 = arith.index_cast %get3A_1022 : i32 to index
        %get3A_1024 = arith.index_cast %add3A_518 : i32 to index
        %get3A_1025 = arith.constant 48 : index
        %get3A_1026 = tpu.vector_load %arg14[%get3A_1023, %get3A_1024, %get3A_1025] {strides = array<i32>} : memref<20x64x64xf32, #tpu.memory_space<vmem>>, vector<1x1x16xf32>,
        %get3A_1027 = vector.shape_cast %get3A_1026 : vector<1x1x16xf32> to vector<16xf32>
        %add3A_1028 = arith.addf %add3A_1000, %get3A_1027 : vector<16xf32>
        %get3A_1029 = arith.constant 17 : i32
        %get3A_1030 = arith.index_cast %get3A_1029 : i32 to index
        %get3A_1031 = arith.index_cast %add3A_518 : i32 to index
        %get3A_1032 = arith.constant 0 : index
        %get3A_1033 = tpu.vector_load %arg14[%get3A_1030, %get3A_1031, %get3A_1032] {strides = array<i32>} : memref<20x64x64xf32, #tpu.memory_space<vmem>>, vector<1x1x16xf32>,
        %get3A_1034 = vector.shape_cast %get3A_1033 : vector<1x1x16xf32> to vector<16xf32>
        %add3A_1035 = arith.addf %add3A_1007, %get3A_1034 : vector<16xf32>
        %get3A_1036 = arith.constant 17 : i32
        %get3A_1037 = arith.index_cast %get3A_1036 : i32 to index
        %get3A_1038 = arith.index_cast %add3A_518 : i32 to index
        %get3A_1039 = arith.constant 16 : index
        %get3A_1040 = tpu.vector_load %arg14[%get3A_1037, %get3A_1038, %get3A_1039] {strides = array<i32>} : memref<20x64x64xf32, #tpu.memory_space<vmem>>, vector<1x1x16xf32>,
        %get3A_1041 = vector.shape_cast %get3A_1040 : vector<1x1x16xf32> to vector<16xf32>
        %add3A_1042 = arith.addf %add3A_1014, %get3A_1041 : vector<16xf32>
        %get3A_1043 = arith.constant 17 : i32
        %get3A_1044 = arith.index_cast %get3A_1043 : i32 to index
        %get3A_1045 = arith.index_cast %add3A_518 : i32 to index
        %get3A_1046 = arith.constant 32 : index
        %get3A_1047 = tpu.vector_load %arg14[%get3A_1044, %get3A_1045, %get3A_1046] {strides = array<i32>} : memref<20x64x64xf32, #tpu.memory_space<vmem>>, vector<1x1x16xf32>,
        %get3A_1048 = vector.shape_cast %get3A_1047 : vector<1x1x16xf32> to vector<16xf32>
        %add3A_1049 = arith.addf %add3A_1021, %get3A_1048 : vector<16xf32>
        %get3A_1050 = arith.constant 17 : i32
        %get3A_1051 = arith.index_cast %get3A_1050 : i32 to index
        %get3A_1052 = arith.index_cast %add3A_518 : i32 to index
        %get3A_1053 = arith.constant 48 : index
        %get3A_1054 = tpu.vector_load %arg14[%get3A_1051, %get3A_1052, %get3A_1053] {strides = array<i32>} : memref<20x64x64xf32, #tpu.memory_space<vmem>>, vector<1x1x16xf32>,
        %get3A_1055 = vector.shape_cast %get3A_1054 : vector<1x1x16xf32> to vector<16xf32>
        %add3A_1056 = arith.addf %add3A_1028, %get3A_1055 : vector<16xf32>
        %get3A_1057 = arith.constant 18 : i32
        %get3A_1058 = arith.index_cast %get3A_1057 : i32 to index
        %get3A_1059 = arith.index_cast %add3A_518 : i32 to index
        %get3A_1060 = arith.constant 0 : index
        %get3A_1061 = tpu.vector_load %arg14[%get3A_1058, %get3A_1059, %get3A_1060] {strides = array<i32>} : memref<20x64x64xf32, #tpu.memory_space<vmem>>, vector<1x1x16xf32>,
        %get3A_1062 = vector.shape_cast %get3A_1061 : vector<1x1x16xf32> to vector<16xf32>
        %add3A_1063 = arith.addf %add3A_1035, %get3A_1062 : vector<16xf32>
        %get3A_1064 = arith.constant 18 : i32
        %get3A_1065 = arith.index_cast %get3A_1064 : i32 to index
        %get3A_1066 = arith.index_cast %add3A_518 : i32 to index
        %get3A_1067 = arith.constant 16 : index
        %get3A_1068 = tpu.vector_load %arg14[%get3A_1065, %get3A_1066, %get3A_1067] {strides = array<i32>} : memref<20x64x64xf32, #tpu.memory_space<vmem>>, vector<1x1x16xf32>,
        %get3A_1069 = vector.shape_cast %get3A_1068 : vector<1x1x16xf32> to vector<16xf32>
        %add3A_1070 = arith.addf %add3A_1042, %get3A_1069 : vector<16xf32>
        %get3A_1071 = arith.constant 18 : i32
        %get3A_1072 = arith.index_cast %get3A_1071 : i32 to index
        %get3A_1073 = arith.index_cast %add3A_518 : i32 to index
        %get3A_1074 = arith.constant 32 : index
        %get3A_1075 = tpu.vector_load %arg14[%get3A_1072, %get3A_1073, %get3A_1074] {strides = array<i32>} : memref<20x64x64xf32, #tpu.memory_space<vmem>>, vector<1x1x16xf32>,
        %get3A_1076 = vector.shape_cast %get3A_1075 : vector<1x1x16xf32> to vector<16xf32>
        %add3A_1077 = arith.addf %add3A_1049, %get3A_1076 : vector<16xf32>
        %get3A_1078 = arith.constant 18 : i32
        %get3A_1079 = arith.index_cast %get3A_1078 : i32 to index
        %get3A_1080 = arith.index_cast %add3A_518 : i32 to index
        %get3A_1081 = arith.constant 48 : index
        %get3A_1082 = tpu.vector_load %arg14[%get3A_1079, %get3A_1080, %get3A_1081] {strides = array<i32>} : memref<20x64x64xf32, #tpu.memory_space<vmem>>, vector<1x1x16xf32>,
        %get3A_1083 = vector.shape_cast %get3A_1082 : vector<1x1x16xf32> to vector<16xf32>
        %add3A_1084 = arith.addf %add3A_1056, %get3A_1083 : vector<16xf32>
        %get3A_1085 = arith.constant 19 : i32
        %get3A_1086 = arith.index_cast %get3A_1085 : i32 to index
        %get3A_1087 = arith.index_cast %add3A_518 : i32 to index
        %get3A_1088 = arith.constant 0 : index
        %get3A_1089 = tpu.vector_load %arg14[%get3A_1086, %get3A_1087, %get3A_1088] {strides = array<i32>} : memref<20x64x64xf32, #tpu.memory_space<vmem>>, vector<1x1x16xf32>,
        %get3A_1090 = vector.shape_cast %get3A_1089 : vector<1x1x16xf32> to vector<16xf32>
        %add3A_1091 = arith.addf %add3A_1063, %get3A_1090 : vector<16xf32>
        %get3A_1092 = arith.constant 19 : i32
        %get3A_1093 = arith.index_cast %get3A_1092 : i32 to index
        %get3A_1094 = arith.index_cast %add3A_518 : i32 to index
        %get3A_1095 = arith.constant 16 : index
        %get3A_1096 = tpu.vector_load %arg14[%get3A_1093, %get3A_1094, %get3A_1095] {strides = array<i32>} : memref<20x64x64xf32, #tpu.memory_space<vmem>>, vector<1x1x16xf32>,
        %get3A_1097 = vector.shape_cast %get3A_1096 : vector<1x1x16xf32> to vector<16xf32>
        %add3A_1098 = arith.addf %add3A_1070, %get3A_1097 : vector<16xf32>
        %get3A_1099 = arith.constant 19 : i32
        %get3A_1100 = arith.index_cast %get3A_1099 : i32 to index
        %get3A_1101 = arith.index_cast %add3A_518 : i32 to index
        %get3A_1102 = arith.constant 32 : index
        %get3A_1103 = tpu.vector_load %arg14[%get3A_1100, %get3A_1101, %get3A_1102] {strides = array<i32>} : memref<20x64x64xf32, #tpu.memory_space<vmem>>, vector<1x1x16xf32>,
        %get3A_1104 = vector.shape_cast %get3A_1103 : vector<1x1x16xf32> to vector<16xf32>
        %add3A_1105 = arith.addf %add3A_1077, %get3A_1104 : vector<16xf32>
        %get3A_1106 = arith.constant 19 : i32
        %get3A_1107 = arith.index_cast %get3A_1106 : i32 to index
        %get3A_1108 = arith.index_cast %add3A_518 : i32 to index
        %get3A_1109 = arith.constant 48 : index
        %get3A_1110 = tpu.vector_load %arg14[%get3A_1107, %get3A_1108, %get3A_1109] {strides = array<i32>} : memref<20x64x64xf32, #tpu.memory_space<vmem>>, vector<1x1x16xf32>,
        %get3A_1111 = vector.shape_cast %get3A_1110 : vector<1x1x16xf32> to vector<16xf32>
        %add3A_1112 = arith.addf %add3A_1084, %get3A_1111 : vector<16xf32>
        %mul3A_1113 = arith.mulf %add3A_1091, %get3A_521 : vector<16xf32>
        %mul3A_1114 = arith.mulf %add3A_1098, %get3A_525 : vector<16xf32>
        %add3A_1115 = arith.addf %mul3A_1113, %mul3A_1114 : vector<16xf32>
        %mul3A_1116 = arith.mulf %add3A_1105, %get3A_529 : vector<16xf32>
        %add3A_1117 = arith.addf %add3A_1115, %mul3A_1116 : vector<16xf32>
        %mul3A_1118 = arith.mulf %add3A_1112, %get3A_533 : vector<16xf32>
        %add3A_1119 = arith.addf %add3A_1117, %mul3A_1118 : vector<16xf32>
        %and3A = arith.constant 15 : i32
        %and3A_1120 = arith.andi %add3A_518, %and3A : i32
        %eq3A = vector.broadcast %and3A_1120 : i32 to vector<16xi32>
        %eq3A_1121 = arith.cmpi eq, %iota3A, %eq3A : vector<16xi32>
        %iota3A_1122 = tpu.iota {dimensions = array<i32: 0>} : vector<16xi32>
        %add3A_1123 = arith.constant 8 : i32
        %add3A_1124 = vector.broadcast %add3A_1123 : i32 to vector<16xi32>
        %add3A_1125 = arith.addi %iota3A_1122, %add3A_1124 : vector<16xi32>
        %jit3A = arith.constant 16 : i32
        %eq3A_1126 = arith.constant 0 : i32
        %eq3A_1127 = arith.cmpi eq, %jit3A, %eq3A_1126 : i32
        %jit3A_1128 = arith.constant 1 : i32
        %select_n3A = arith.select %eq3A_1127, %jit3A_1128, %jit3A : i32
        %rem3A = vector.broadcast %select_n3A : i32 to vector<16xi32>
        %rem3A_1129 = arith.remsi %add3A_1125, %rem3A : vector<16xi32>
        %ne3A = arith.constant 0 : i32
        %ne3A_1130 = vector.broadcast %ne3A : i32 to vector<16xi32>
        %ne3A_1131 = arith.cmpi ne, %rem3A_1129, %ne3A_1130 : vector<16xi32>
        %lt3A = arith.constant 0 : i32
        %lt3A_1132 = vector.broadcast %lt3A : i32 to vector<16xi32>
        %lt3A_1133 = arith.cmpi slt, %rem3A_1129, %lt3A_1132 : vector<16xi32>
        %lt3A_1134 = arith.constant 0 : i32
        %lt3A_1135 = arith.cmpi slt, %select_n3A, %lt3A_1134 : i32
        %ne3A_1136 = vector.broadcast %lt3A_1135 : i1 to vector<16xi1>
        %ne3A_1137 = vector.broadcast %ne3A_1136 : vector<16xi1> to vector<16xi1>
        %ne3A_1138 = arith.xori %lt3A_1133, %ne3A_1137 : vector<16xi1>
        %and3A_1139 = arith.andi %ne3A_1138, %ne3A_1131 : vector<16xi1>
        %add3A_1140 = vector.broadcast %select_n3A : i32 to vector<16xi32>
        %add3A_1141 = arith.addi %rem3A_1129, %add3A_1140 : vector<16xi32>
        %select_n3A_1142 = arith.select %and3A_1139, %add3A_1141, %rem3A_1129 : vector<16xi1>, vector<16xi32>
        %broadcast_in_dim3A_1143 = vector.shape_cast %select_n3A_1142 : vector<16xi32> to vector<16x1xi32>
        %gather3A = vector.shape_cast %broadcast_in_dim3A_1143 : vector<16x1xi32> to vector<16xi32>
        %gather3A_1144 = tpu.dynamic_gather %add3A_556[%gather3A] in [0] : vector<16xf32>, vector<16xi32> -> vector<16xf32>
        %add3A_1145 = arith.addf %add3A_556, %gather3A_1144 : vector<16xf32>
        %iota3A_1146 = tpu.iota {dimensions = array<i32: 0>} : vector<16xi32>
        %add3A_1147 = arith.constant 4 : i32
        %add3A_1148 = vector.broadcast %add3A_1147 : i32 to vector<16xi32>
        %add3A_1149 = arith.addi %iota3A_1146, %add3A_1148 : vector<16xi32>
        %jit3A_1150 = arith.constant 16 : i32
        %eq3A_1151 = arith.constant 0 : i32
        %eq3A_1152 = arith.cmpi eq, %jit3A_1150, %eq3A_1151 : i32
        %jit3A_1153 = arith.constant 1 : i32
        %select_n3A_1154 = arith.select %eq3A_1152, %jit3A_1153, %jit3A_1150 : i32
        %rem3A_1155 = vector.broadcast %select_n3A_1154 : i32 to vector<16xi32>
        %rem3A_1156 = arith.remsi %add3A_1149, %rem3A_1155 : vector<16xi32>
        %ne3A_1157 = arith.constant 0 : i32
        %ne3A_1158 = vector.broadcast %ne3A_1157 : i32 to vector<16xi32>
        %ne3A_1159 = arith.cmpi ne, %rem3A_1156, %ne3A_1158 : vector<16xi32>
        %lt3A_1160 = arith.constant 0 : i32
        %lt3A_1161 = vector.broadcast %lt3A_1160 : i32 to vector<16xi32>
        %lt3A_1162 = arith.cmpi slt, %rem3A_1156, %lt3A_1161 : vector<16xi32>
        %lt3A_1163 = arith.constant 0 : i32
        %lt3A_1164 = arith.cmpi slt, %select_n3A_1154, %lt3A_1163 : i32
        %ne3A_1165 = vector.broadcast %lt3A_1164 : i1 to vector<16xi1>
        %ne3A_1166 = vector.broadcast %ne3A_1165 : vector<16xi1> to vector<16xi1>
        %ne3A_1167 = arith.xori %lt3A_1162, %ne3A_1166 : vector<16xi1>
        %and3A_1168 = arith.andi %ne3A_1167, %ne3A_1159 : vector<16xi1>
        %add3A_1169 = vector.broadcast %select_n3A_1154 : i32 to vector<16xi32>
        %add3A_1170 = arith.addi %rem3A_1156, %add3A_1169 : vector<16xi32>
        %select_n3A_1171 = arith.select %and3A_1168, %add3A_1170, %rem3A_1156 : vector<16xi1>, vector<16xi32>
        %broadcast_in_dim3A_1172 = vector.shape_cast %select_n3A_1171 : vector<16xi32> to vector<16x1xi32>
        %gather3A_1173 = vector.shape_cast %broadcast_in_dim3A_1172 : vector<16x1xi32> to vector<16xi32>
        %gather3A_1174 = tpu.dynamic_gather %add3A_1145[%gather3A_1173] in [0] : vector<16xf32>, vector<16xi32> -> vector<16xf32>
        %add3A_1175 = arith.addf %add3A_1145, %gather3A_1174 : vector<16xf32>
        %iota3A_1176 = tpu.iota {dimensions = array<i32: 0>} : vector<16xi32>
        %add3A_1177 = arith.constant 2 : i32
        %add3A_1178 = vector.broadcast %add3A_1177 : i32 to vector<16xi32>
        %add3A_1179 = arith.addi %iota3A_1176, %add3A_1178 : vector<16xi32>
        %jit3A_1180 = arith.constant 16 : i32
        %eq3A_1181 = arith.constant 0 : i32
        %eq3A_1182 = arith.cmpi eq, %jit3A_1180, %eq3A_1181 : i32
        %jit3A_1183 = arith.constant 1 : i32
        %select_n3A_1184 = arith.select %eq3A_1182, %jit3A_1183, %jit3A_1180 : i32
        %rem3A_1185 = vector.broadcast %select_n3A_1184 : i32 to vector<16xi32>
        %rem3A_1186 = arith.remsi %add3A_1179, %rem3A_1185 : vector<16xi32>
        %ne3A_1187 = arith.constant 0 : i32
        %ne3A_1188 = vector.broadcast %ne3A_1187 : i32 to vector<16xi32>
        %ne3A_1189 = arith.cmpi ne, %rem3A_1186, %ne3A_1188 : vector<16xi32>
        %lt3A_1190 = arith.constant 0 : i32
        %lt3A_1191 = vector.broadcast %lt3A_1190 : i32 to vector<16xi32>
        %lt3A_1192 = arith.cmpi slt, %rem3A_1186, %lt3A_1191 : vector<16xi32>
        %lt3A_1193 = arith.constant 0 : i32
        %lt3A_1194 = arith.cmpi slt, %select_n3A_1184, %lt3A_1193 : i32
        %ne3A_1195 = vector.broadcast %lt3A_1194 : i1 to vector<16xi1>
        %ne3A_1196 = vector.broadcast %ne3A_1195 : vector<16xi1> to vector<16xi1>
        %ne3A_1197 = arith.xori %lt3A_1192, %ne3A_1196 : vector<16xi1>
        %and3A_1198 = arith.andi %ne3A_1197, %ne3A_1189 : vector<16xi1>
        %add3A_1199 = vector.broadcast %select_n3A_1184 : i32 to vector<16xi32>
        %add3A_1200 = arith.addi %rem3A_1186, %add3A_1199 : vector<16xi32>
        %select_n3A_1201 = arith.select %and3A_1198, %add3A_1200, %rem3A_1186 : vector<16xi1>, vector<16xi32>
        %broadcast_in_dim3A_1202 = vector.shape_cast %select_n3A_1201 : vector<16xi32> to vector<16x1xi32>
        %gather3A_1203 = vector.shape_cast %broadcast_in_dim3A_1202 : vector<16x1xi32> to vector<16xi32>
        %gather3A_1204 = tpu.dynamic_gather %add3A_1175[%gather3A_1203] in [0] : vector<16xf32>, vector<16xi32> -> vector<16xf32>
        %add3A_1205 = arith.addf %add3A_1175, %gather3A_1204 : vector<16xf32>
        %iota3A_1206 = tpu.iota {dimensions = array<i32: 0>} : vector<16xi32>
        %add3A_1207 = arith.constant 1 : i32
        %add3A_1208 = vector.broadcast %add3A_1207 : i32 to vector<16xi32>
        %add3A_1209 = arith.addi %iota3A_1206, %add3A_1208 : vector<16xi32>
        %jit3A_1210 = arith.constant 16 : i32
        %eq3A_1211 = arith.constant 0 : i32
        %eq3A_1212 = arith.cmpi eq, %jit3A_1210, %eq3A_1211 : i32
        %jit3A_1213 = arith.constant 1 : i32
        %select_n3A_1214 = arith.select %eq3A_1212, %jit3A_1213, %jit3A_1210 : i32
        %rem3A_1215 = vector.broadcast %select_n3A_1214 : i32 to vector<16xi32>
        %rem3A_1216 = arith.remsi %add3A_1209, %rem3A_1215 : vector<16xi32>
        %ne3A_1217 = arith.constant 0 : i32
        %ne3A_1218 = vector.broadcast %ne3A_1217 : i32 to vector<16xi32>
        %ne3A_1219 = arith.cmpi ne, %rem3A_1216, %ne3A_1218 : vector<16xi32>
        %lt3A_1220 = arith.constant 0 : i32
        %lt3A_1221 = vector.broadcast %lt3A_1220 : i32 to vector<16xi32>
        %lt3A_1222 = arith.cmpi slt, %rem3A_1216, %lt3A_1221 : vector<16xi32>
        %lt3A_1223 = arith.constant 0 : i32
        %lt3A_1224 = arith.cmpi slt, %select_n3A_1214, %lt3A_1223 : i32
        %ne3A_1225 = vector.broadcast %lt3A_1224 : i1 to vector<16xi1>
        %ne3A_1226 = vector.broadcast %ne3A_1225 : vector<16xi1> to vector<16xi1>
        %ne3A_1227 = arith.xori %lt3A_1222, %ne3A_1226 : vector<16xi1>
        %and3A_1228 = arith.andi %ne3A_1227, %ne3A_1219 : vector<16xi1>
        %add3A_1229 = vector.broadcast %select_n3A_1214 : i32 to vector<16xi32>
        %add3A_1230 = arith.addi %rem3A_1216, %add3A_1229 : vector<16xi32>
        %select_n3A_1231 = arith.select %and3A_1228, %add3A_1230, %rem3A_1216 : vector<16xi1>, vector<16xi32>
        %broadcast_in_dim3A_1232 = vector.shape_cast %select_n3A_1231 : vector<16xi32> to vector<16x1xi32>
        %gather3A_1233 = vector.shape_cast %broadcast_in_dim3A_1232 : vector<16x1xi32> to vector<16xi32>
        %gather3A_1234 = tpu.dynamic_gather %add3A_1205[%gather3A_1233] in [0] : vector<16xf32>, vector<16xi32> -> vector<16xf32>
        %add3A_1235 = arith.addf %add3A_1205, %gather3A_1234 : vector<16xf32>
        %select_n3A_1236 = arith.select %eq3A_1121, %add3A_1235, %scan3A_513 : vector<16xi1>, vector<16xf32>
        %iota3A_1237 = tpu.iota {dimensions = array<i32: 0>} : vector<16xi32>
        %add3A_1238 = arith.constant 8 : i32
        %add3A_1239 = vector.broadcast %add3A_1238 : i32 to vector<16xi32>
        %add3A_1240 = arith.addi %iota3A_1237, %add3A_1239 : vector<16xi32>
        %jit3A_1241 = arith.constant 16 : i32
        %eq3A_1242 = arith.constant 0 : i32
        %eq3A_1243 = arith.cmpi eq, %jit3A_1241, %eq3A_1242 : i32
        %jit3A_1244 = arith.constant 1 : i32
        %select_n3A_1245 = arith.select %eq3A_1243, %jit3A_1244, %jit3A_1241 : i32
        %rem3A_1246 = vector.broadcast %select_n3A_1245 : i32 to vector<16xi32>
        %rem3A_1247 = arith.remsi %add3A_1240, %rem3A_1246 : vector<16xi32>
        %ne3A_1248 = arith.constant 0 : i32
        %ne3A_1249 = vector.broadcast %ne3A_1248 : i32 to vector<16xi32>
        %ne3A_1250 = arith.cmpi ne, %rem3A_1247, %ne3A_1249 : vector<16xi32>
        %lt3A_1251 = arith.constant 0 : i32
        %lt3A_1252 = vector.broadcast %lt3A_1251 : i32 to vector<16xi32>
        %lt3A_1253 = arith.cmpi slt, %rem3A_1247, %lt3A_1252 : vector<16xi32>
        %lt3A_1254 = arith.constant 0 : i32
        %lt3A_1255 = arith.cmpi slt, %select_n3A_1245, %lt3A_1254 : i32
        %ne3A_1256 = vector.broadcast %lt3A_1255 : i1 to vector<16xi1>
        %ne3A_1257 = vector.broadcast %ne3A_1256 : vector<16xi1> to vector<16xi1>
        %ne3A_1258 = arith.xori %lt3A_1253, %ne3A_1257 : vector<16xi1>
        %and3A_1259 = arith.andi %ne3A_1258, %ne3A_1250 : vector<16xi1>
        %add3A_1260 = vector.broadcast %select_n3A_1245 : i32 to vector<16xi32>
        %add3A_1261 = arith.addi %rem3A_1247, %add3A_1260 : vector<16xi32>
        %select_n3A_1262 = arith.select %and3A_1259, %add3A_1261, %rem3A_1247 : vector<16xi1>, vector<16xi32>
        %broadcast_in_dim3A_1263 = vector.shape_cast %select_n3A_1262 : vector<16xi32> to vector<16x1xi32>
        %gather3A_1264 = vector.shape_cast %broadcast_in_dim3A_1263 : vector<16x1xi32> to vector<16xi32>
        %gather3A_1265 = tpu.dynamic_gather %add3A_1119[%gather3A_1264] in [0] : vector<16xf32>, vector<16xi32> -> vector<16xf32>
        %add3A_1266 = arith.addf %add3A_1119, %gather3A_1265 : vector<16xf32>
        %iota3A_1267 = tpu.iota {dimensions = array<i32: 0>} : vector<16xi32>
        %add3A_1268 = arith.constant 4 : i32
        %add3A_1269 = vector.broadcast %add3A_1268 : i32 to vector<16xi32>
        %add3A_1270 = arith.addi %iota3A_1267, %add3A_1269 : vector<16xi32>
        %jit3A_1271 = arith.constant 16 : i32
        %eq3A_1272 = arith.constant 0 : i32
        %eq3A_1273 = arith.cmpi eq, %jit3A_1271, %eq3A_1272 : i32
        %jit3A_1274 = arith.constant 1 : i32
        %select_n3A_1275 = arith.select %eq3A_1273, %jit3A_1274, %jit3A_1271 : i32
        %rem3A_1276 = vector.broadcast %select_n3A_1275 : i32 to vector<16xi32>
        %rem3A_1277 = arith.remsi %add3A_1270, %rem3A_1276 : vector<16xi32>
        %ne3A_1278 = arith.constant 0 : i32
        %ne3A_1279 = vector.broadcast %ne3A_1278 : i32 to vector<16xi32>
        %ne3A_1280 = arith.cmpi ne, %rem3A_1277, %ne3A_1279 : vector<16xi32>
        %lt3A_1281 = arith.constant 0 : i32
        %lt3A_1282 = vector.broadcast %lt3A_1281 : i32 to vector<16xi32>
        %lt3A_1283 = arith.cmpi slt, %rem3A_1277, %lt3A_1282 : vector<16xi32>
        %lt3A_1284 = arith.constant 0 : i32
        %lt3A_1285 = arith.cmpi slt, %select_n3A_1275, %lt3A_1284 : i32
        %ne3A_1286 = vector.broadcast %lt3A_1285 : i1 to vector<16xi1>
        %ne3A_1287 = vector.broadcast %ne3A_1286 : vector<16xi1> to vector<16xi1>
        %ne3A_1288 = arith.xori %lt3A_1283, %ne3A_1287 : vector<16xi1>
        %and3A_1289 = arith.andi %ne3A_1288, %ne3A_1280 : vector<16xi1>
        %add3A_1290 = vector.broadcast %select_n3A_1275 : i32 to vector<16xi32>
        %add3A_1291 = arith.addi %rem3A_1277, %add3A_1290 : vector<16xi32>
        %select_n3A_1292 = arith.select %and3A_1289, %add3A_1291, %rem3A_1277 : vector<16xi1>, vector<16xi32>
        %broadcast_in_dim3A_1293 = vector.shape_cast %select_n3A_1292 : vector<16xi32> to vector<16x1xi32>
        %gather3A_1294 = vector.shape_cast %broadcast_in_dim3A_1293 : vector<16x1xi32> to vector<16xi32>
        %gather3A_1295 = tpu.dynamic_gather %add3A_1266[%gather3A_1294] in [0] : vector<16xf32>, vector<16xi32> -> vector<16xf32>
        %add3A_1296 = arith.addf %add3A_1266, %gather3A_1295 : vector<16xf32>
        %iota3A_1297 = tpu.iota {dimensions = array<i32: 0>} : vector<16xi32>
        %add3A_1298 = arith.constant 2 : i32
        %add3A_1299 = vector.broadcast %add3A_1298 : i32 to vector<16xi32>
        %add3A_1300 = arith.addi %iota3A_1297, %add3A_1299 : vector<16xi32>
        %jit3A_1301 = arith.constant 16 : i32
        %eq3A_1302 = arith.constant 0 : i32
        %eq3A_1303 = arith.cmpi eq, %jit3A_1301, %eq3A_1302 : i32
        %jit3A_1304 = arith.constant 1 : i32
        %select_n3A_1305 = arith.select %eq3A_1303, %jit3A_1304, %jit3A_1301 : i32
        %rem3A_1306 = vector.broadcast %select_n3A_1305 : i32 to vector<16xi32>
        %rem3A_1307 = arith.remsi %add3A_1300, %rem3A_1306 : vector<16xi32>
        %ne3A_1308 = arith.constant 0 : i32
        %ne3A_1309 = vector.broadcast %ne3A_1308 : i32 to vector<16xi32>
        %ne3A_1310 = arith.cmpi ne, %rem3A_1307, %ne3A_1309 : vector<16xi32>
        %lt3A_1311 = arith.constant 0 : i32
        %lt3A_1312 = vector.broadcast %lt3A_1311 : i32 to vector<16xi32>
        %lt3A_1313 = arith.cmpi slt, %rem3A_1307, %lt3A_1312 : vector<16xi32>
        %lt3A_1314 = arith.constant 0 : i32
        %lt3A_1315 = arith.cmpi slt, %select_n3A_1305, %lt3A_1314 : i32
        %ne3A_1316 = vector.broadcast %lt3A_1315 : i1 to vector<16xi1>
        %ne3A_1317 = vector.broadcast %ne3A_1316 : vector<16xi1> to vector<16xi1>
        %ne3A_1318 = arith.xori %lt3A_1313, %ne3A_1317 : vector<16xi1>
        %and3A_1319 = arith.andi %ne3A_1318, %ne3A_1310 : vector<16xi1>
        %add3A_1320 = vector.broadcast %select_n3A_1305 : i32 to vector<16xi32>
        %add3A_1321 = arith.addi %rem3A_1307, %add3A_1320 : vector<16xi32>
        %select_n3A_1322 = arith.select %and3A_1319, %add3A_1321, %rem3A_1307 : vector<16xi1>, vector<16xi32>
        %broadcast_in_dim3A_1323 = vector.shape_cast %select_n3A_1322 : vector<16xi32> to vector<16x1xi32>
        %gather3A_1324 = vector.shape_cast %broadcast_in_dim3A_1323 : vector<16x1xi32> to vector<16xi32>
        %gather3A_1325 = tpu.dynamic_gather %add3A_1296[%gather3A_1324] in [0] : vector<16xf32>, vector<16xi32> -> vector<16xf32>
        %add3A_1326 = arith.addf %add3A_1296, %gather3A_1325 : vector<16xf32>
        %iota3A_1327 = tpu.iota {dimensions = array<i32: 0>} : vector<16xi32>
        %add3A_1328 = arith.constant 1 : i32
        %add3A_1329 = vector.broadcast %add3A_1328 : i32 to vector<16xi32>
        %add3A_1330 = arith.addi %iota3A_1327, %add3A_1329 : vector<16xi32>
        %jit3A_1331 = arith.constant 16 : i32
        %eq3A_1332 = arith.constant 0 : i32
        %eq3A_1333 = arith.cmpi eq, %jit3A_1331, %eq3A_1332 : i32
        %jit3A_1334 = arith.constant 1 : i32
        %select_n3A_1335 = arith.select %eq3A_1333, %jit3A_1334, %jit3A_1331 : i32
        %rem3A_1336 = vector.broadcast %select_n3A_1335 : i32 to vector<16xi32>
        %rem3A_1337 = arith.remsi %add3A_1330, %rem3A_1336 : vector<16xi32>
        %ne3A_1338 = arith.constant 0 : i32
        %ne3A_1339 = vector.broadcast %ne3A_1338 : i32 to vector<16xi32>
        %ne3A_1340 = arith.cmpi ne, %rem3A_1337, %ne3A_1339 : vector<16xi32>
        %lt3A_1341 = arith.constant 0 : i32
        %lt3A_1342 = vector.broadcast %lt3A_1341 : i32 to vector<16xi32>
        %lt3A_1343 = arith.cmpi slt, %rem3A_1337, %lt3A_1342 : vector<16xi32>
        %lt3A_1344 = arith.constant 0 : i32
        %lt3A_1345 = arith.cmpi slt, %select_n3A_1335, %lt3A_1344 : i32
        %ne3A_1346 = vector.broadcast %lt3A_1345 : i1 to vector<16xi1>
        %ne3A_1347 = vector.broadcast %ne3A_1346 : vector<16xi1> to vector<16xi1>
        %ne3A_1348 = arith.xori %lt3A_1343, %ne3A_1347 : vector<16xi1>
        %and3A_1349 = arith.andi %ne3A_1348, %ne3A_1340 : vector<16xi1>
        %add3A_1350 = vector.broadcast %select_n3A_1335 : i32 to vector<16xi32>
        %add3A_1351 = arith.addi %rem3A_1337, %add3A_1350 : vector<16xi32>
        %select_n3A_1352 = arith.select %and3A_1349, %add3A_1351, %rem3A_1337 : vector<16xi1>, vector<16xi32>
        %broadcast_in_dim3A_1353 = vector.shape_cast %select_n3A_1352 : vector<16xi32> to vector<16x1xi32>
        %gather3A_1354 = vector.shape_cast %broadcast_in_dim3A_1353 : vector<16x1xi32> to vector<16xi32>
        %gather3A_1355 = tpu.dynamic_gather %add3A_1326[%gather3A_1354] in [0] : vector<16xf32>, vector<16xi32> -> vector<16xf32>
        %add3A_1356 = arith.addf %add3A_1326, %gather3A_1355 : vector<16xf32>
        %select_n3A_1357 = arith.select %eq3A_1121, %add3A_1356, %scan3A_514 : vector<16xi1>, vector<16xf32>
        %and3A_1358 = arith.constant 15 : i32
        %and3A_1359 = arith.andi %add3A_518, %and3A_1358 : i32
        %eq3A_1360 = arith.constant 15 : i32
        %eq3A_1361 = arith.cmpi eq, %and3A_1359, %eq3A_1360 : i32
        %convert_element_type3A = arith.extui %eq3A_1361 : i1 to i32
        %cond3A = arith.constant 0 : i32
        %cond3A_1362 = arith.cmpi ne, %convert_element_type3A, %cond3A : i32
        scf.if %cond3A_1362 {
          %mul3A_1363 = arith.constant 64 : i32
          %mul3A_1364 = arith.muli %add3A_11, %mul3A_1363 : i32
          %add3A_1365 = arith.addi %mul3A_1364, %add3A_518 : i32
          %sub3A = arith.constant 15 : i32
          %sub3A_1366 = arith.subi %add3A_1365, %sub3A : i32
          %swap3A = arith.index_cast %sub3A_1366 : i32 to index
          %swap3A_1367 = tpu.vector_load %arg15[%swap3A] {strides = array<i32>} : memref<512xf32, #tpu.memory_space<vmem>>, vector<16xf32>,
          %swap3A_1368 = vector.shape_cast %swap3A_1367 : vector<16xf32> to vector<16xf32>
          %swap3A_1369 = vector.shape_cast %select_n3A_1236 : vector<16xf32> to vector<16xf32>
          tpu.vector_store %arg15[%swap3A], %swap3A_1369 {strides = array<i32>} : memref<512xf32, #tpu.memory_space<vmem>>, vector<16xf32>,
          %mul3A_1370 = arith.constant 64 : i32
          %mul3A_1371 = arith.muli %add3A_11, %mul3A_1370 : i32
          %add3A_1372 = arith.addi %mul3A_1371, %add3A_518 : i32
          %sub3A_1373 = arith.constant 15 : i32
          %sub3A_1374 = arith.subi %add3A_1372, %sub3A_1373 : i32
          %swap3A_1375 = arith.index_cast %sub3A_1374 : i32 to index
          %swap3A_1376 = tpu.vector_load %arg16[%swap3A_1375] {strides = array<i32>} : memref<512xf32, #tpu.memory_space<vmem>>, vector<16xf32>,
          %swap3A_1377 = vector.shape_cast %swap3A_1376 : vector<16xf32> to vector<16xf32>
          %swap3A_1378 = vector.shape_cast %select_n3A_1357 : vector<16xf32> to vector<16xf32>
          tpu.vector_store %arg16[%swap3A_1375], %swap3A_1378 {strides = array<i32>} : memref<512xf32, #tpu.memory_space<vmem>>, vector<16xf32>,
        } else {
        }
        scf.yield %select_n3A_1236, %select_n3A_1357 : vector<16xf32>, vector<16xf32>
      }
      %scan3A_511 = arith.constant 64 : i32
    }
    %scan3A_6 = arith.constant 8 : i32
    "tpu.region"() ({
      %run_scoped3A = tpu.sem_alloc : memref<!tpu.dma_semaphore, #tpu.memory_space<semaphore_mem>>
      %dma_start3A = tpu.memref_slice %arg7[%mul3A_2] : memref<16384xf32, #tpu.memory_space<hbm>> -> memref<512xf32, #tpu.memory_space<hbm>>
      %dma_start3A_7 = tpu.memref_slice %arg7[%mul3A_2] : memref<16384xf32, #tpu.memory_space<hbm>> -> memref<512xf32, #tpu.memory_space<hbm>>
      tpu.enqueue_dma source(%arg15 : memref<512xf32, #tpu.memory_space<vmem>>) target(%dma_start3A_7 : memref<512xf32, #tpu.memory_space<hbm>>) target_semaphore(%run_scoped3A : memref<!tpu.dma_semaphore, #tpu.memory_space<semaphore_mem>>)
      %dma_wait3A = tpu.memref_slice %arg7[%mul3A_2] : memref<16384xf32, #tpu.memory_space<hbm>> -> memref<512xf32, #tpu.memory_space<hbm>>
      %dma_wait3A_8 = tpu.memref_slice %arg7[%mul3A_2] : memref<16384xf32, #tpu.memory_space<hbm>> -> memref<512xf32, #tpu.memory_space<hbm>>
      tpu.wait_dma2 semaphore(%run_scoped3A : memref<!tpu.dma_semaphore, #tpu.memory_space<semaphore_mem>>) src(%arg15 : memref<512xf32, #tpu.memory_space<vmem>>) dst(%dma_wait3A_8 : memref<512xf32, #tpu.memory_space<hbm>>)
      tpu.yield
    }) : () -> ()
    "tpu.region"() ({
      %run_scoped3A = tpu.sem_alloc : memref<!tpu.dma_semaphore, #tpu.memory_space<semaphore_mem>>
      %dma_start3A = tpu.memref_slice %arg8[%mul3A_2] : memref<16384xf32, #tpu.memory_space<hbm>> -> memref<512xf32, #tpu.memory_space<hbm>>
      %dma_start3A_7 = tpu.memref_slice %arg8[%mul3A_2] : memref<16384xf32, #tpu.memory_space<hbm>> -> memref<512xf32, #tpu.memory_space<hbm>>
      tpu.enqueue_dma source(%arg16 : memref<512xf32, #tpu.memory_space<vmem>>) target(%dma_start3A_7 : memref<512xf32, #tpu.memory_space<hbm>>) target_semaphore(%run_scoped3A : memref<!tpu.dma_semaphore, #tpu.memory_space<semaphore_mem>>)
      %dma_wait3A = tpu.memref_slice %arg8[%mul3A_2] : memref<16384xf32, #tpu.memory_space<hbm>> -> memref<512xf32, #tpu.memory_space<hbm>>
      %dma_wait3A_8 = tpu.memref_slice %arg8[%mul3A_2] : memref<16384xf32, #tpu.memory_space<hbm>> -> memref<512xf32, #tpu.memory_space<hbm>>
      tpu.wait_dma2 semaphore(%run_scoped3A : memref<!tpu.dma_semaphore, #tpu.memory_space<semaphore_mem>>) src(%arg16 : memref<512xf32, #tpu.memory_space<vmem>>) dst(%dma_wait3A_8 : memref<512xf32, #tpu.memory_space<hbm>>)
      tpu.yield
    }) : () -> ()
    return
  }
}

module attributes {stable_mosaic.version = 14 : i64} {
  func.func @_tc_loss_body(%arg0: memref<128x128xf32, #tpu.memory_space<vmem>>, %arg1: memref<128x128xf32, #tpu.memory_space<vmem>>, %arg2: memref<1x1xf32, #tpu.memory_space<vmem>>) attributes {dimension_semantics = [], scalar_prefetch = 0 : i64, scratch_operands = 0 : i64, tpu.core_type = #tpu.core_type<tc>} {
    %get3A = arith.constant 0 : index
    %get3A_0 = arith.constant 0 : index
    %get3A_1 = vector.load %arg0[%get3A, %get3A_0] : memref<128x128xf32, #tpu.memory_space<vmem>>, vector<128x128xf32>
    %get3A_2 = arith.constant 0 : index
    %get3A_3 = arith.constant 0 : index
    %get3A_4 = vector.load %arg1[%get3A_2, %get3A_3] : memref<128x128xf32, #tpu.memory_space<vmem>>, vector<128x128xf32>
    %min3A = arith.constant 0.000000e+00 : f32
    %min3A_5 = vector.broadcast %min3A : f32 to vector<128x128xf32>
    %min3A_6 = arith.minimumf %get3A_1, %min3A_5 : vector<128x128xf32>
    %abs3A = math.absf %get3A_1 : vector<128x128xf32>
    %neg3A = arith.constant 0.000000e+00 : f32
    %neg3A_7 = vector.broadcast %neg3A : f32 to vector<128x128xf32>
    %neg3A_8 = arith.subf %neg3A_7, %abs3A : vector<128x128xf32>
    %exp3A = math.exp %neg3A_8 : vector<128x128xf32>
    %log1p3A = math.log1p %exp3A : vector<128x128xf32>
    %sub3A = arith.subf %min3A_6, %log1p3A : vector<128x128xf32>
    %neg3A_9 = arith.constant 0.000000e+00 : f32
    %neg3A_10 = vector.broadcast %neg3A_9 : f32 to vector<128x128xf32>
    %neg3A_11 = arith.subf %neg3A_10, %get3A_4 : vector<128x128xf32>
    %min3A_12 = arith.constant 0.000000e+00 : f32
    %min3A_13 = vector.broadcast %min3A_12 : f32 to vector<128x128xf32>
    %min3A_14 = arith.minimumf %neg3A_11, %min3A_13 : vector<128x128xf32>
    %abs3A_15 = math.absf %get3A_4 : vector<128x128xf32>
    %neg3A_16 = arith.constant 0.000000e+00 : f32
    %neg3A_17 = vector.broadcast %neg3A_16 : f32 to vector<128x128xf32>
    %neg3A_18 = arith.subf %neg3A_17, %abs3A_15 : vector<128x128xf32>
    %exp3A_19 = math.exp %neg3A_18 : vector<128x128xf32>
    %log1p3A_20 = math.log1p %exp3A_19 : vector<128x128xf32>
    %sub3A_21 = arith.subf %min3A_14, %log1p3A_20 : vector<128x128xf32>
    %reduce_sum3A = vector.shape_cast %sub3A : vector<128x128xf32> to vector<1x128x128xf32>
    %reduce_sum3A_22 = arith.constant dense<0.000000e+00> : vector<1xf32>
    %reduce_sum3A_23 = vector.multi_reduction <add>, %reduce_sum3A, %reduce_sum3A_22 [1, 2] : vector<1x128x128xf32> to vector<1xf32>
    %reduce_sum3A_24 = vector.shape_cast %reduce_sum3A_23 : vector<1xf32> to vector<1x1x1xf32>
    %reduce_sum3A_25 = vector.extract %reduce_sum3A_24[0, 0, 0] : f32 from vector<1x1x1xf32>
    %reduce_sum3A_26 = vector.shape_cast %sub3A_21 : vector<128x128xf32> to vector<1x128x128xf32>
    %reduce_sum3A_27 = arith.constant dense<0.000000e+00> : vector<1xf32>
    %reduce_sum3A_28 = vector.multi_reduction <add>, %reduce_sum3A_26, %reduce_sum3A_27 [1, 2] : vector<1x128x128xf32> to vector<1xf32>
    %reduce_sum3A_29 = vector.shape_cast %reduce_sum3A_28 : vector<1xf32> to vector<1x1x1xf32>
    %reduce_sum3A_30 = vector.extract %reduce_sum3A_29[0, 0, 0] : f32 from vector<1x1x1xf32>
    %add3A = arith.addf %reduce_sum3A_25, %reduce_sum3A_30 : f32
    %neg3A_31 = arith.constant 0.000000e+00 : f32
    %neg3A_32 = arith.subf %neg3A_31, %add3A : f32
    %div3A = arith.constant 1.638400e+04 : f32
    %div3A_33 = arith.divf %neg3A_32, %div3A : f32
    %broadcast_in_dim3A = vector.broadcast %div3A_33 : f32 to vector<1x1xf32>
    %swap3A = arith.constant 0 : index
    %swap3A_34 = arith.constant 0 : index
    %swap3A_35 = vector.load %arg2[%swap3A, %swap3A_34] : memref<1x1xf32, #tpu.memory_space<vmem>>, vector<1x1xf32>
    tpu.vector_store %arg2[%swap3A, %swap3A_34], %broadcast_in_dim3A {strides = array<i32>} : memref<1x1xf32, #tpu.memory_space<vmem>>, vector<1x1xf32>,
    return
  }
}

</mosaic_0001>

<sc_bundles>
// kernel: kernel.4.cloned.1.call-start
scs
__scs_entry_jumppad:
0x0: {  	(pc) =	sbr.rel $0x88, $3  }
0x1: {  	(tag) =	ssettag $0x0;
	lr =	simm.s32 $0x1  }
0x2: {  	[smem:$0x3F9C] =	sst lr;
	_ =	strace $0xD0000000  }
0x3: {  	_ = 	snop  }
0x4: {  	_ = 	snop  }
0x5: {  	_ = 	snop  }
0x6: {  	_ = 	snop  }
0x7: {  	_ = 	snop  }
__scs_overlays_trampoline_lowered:
0x8: {  	[smem:$0x3FAB] =	sst s0  }
0x9: {  	[smem:$0x3FAC] =	sst s1  }
0xa: {  	[smem:$0x3FAD] =	sst s2  }
0xb: {  	[smem:$0x3FAE] =	sst s3  }
0xc: {  	[smem:$0x3FAF] =	sst s4  }
0xd: {  	[smem:$0x3FB0] =	sst s5  }
0xe: {  	[smem:$0x3FB1] =	sst s6  }
0xf: {  	[smem:$0x3FB2] =	sst s7  }
0x10: {  	[smem:$0x3FB3] =	sst s8  }
0x11: {  	[smem:$0x3FB4] =	sst s9;
	s0 =	simm.s32 @!p0 $0x0  }
0x12: {  	s1 =	sld [smem:$0x3F9A];
	s0 =	simm.s32 @p0 $0x1  }
0x13: {  	[smem:$0x3FB5] =	sst s0;
	s0 =	simm.s32 @!p1 $0x0  }
0x14: {  	s2 =	sld [smem:$0x3F99];
	s0 =	simm.s32 @p1 $0x1  }
0x15: {  	[smem:$0x3FB6] =	sst s0;
	s0 =	simm.s32 @!p2 $0x0  }
0x16: {  	s3 =	sld [smem:$0x3FDB];
	s0 =	simm.s32 @p2 $0x1  }
0x17: {  	s4 =	simm.s32 $0x1BF5;
	[smem:$0x3FB8] =	sst s0  }
0x18: {  	s0 =	sld [smem:$0x3F9B];
	_ =	swait.ge [sflag:s4], $0x0  }
0x19: {  	s7 =	sld [smem:$0x3F9C]  }
0x1a: {  	s8 =	sadd.s32 $0xFFFFE003, lr  }
0x1b: {  	s9 =	sadd.s32 $0xFFFFFEF7, lr;
	s5 =	simm.s32 $0xFFFFFFFF;
	p2 =	slt.u32 s8, $0xFFFFF086  }
0x1c: {  	p1 =	slt.u32 s9, $0xF7A;
	s5 =	simm.s32 @!p2 $0x0  }
0x1d: {  	s5 =	simm.s32 @p1 $0x1;
	p0 =	seq.s32 s7, s2  }
0x1e: {  	s7 =	smul.u32 @!p0 $0xF7A, s2;
	p2 =	seq.s32 @!p0 s5, $0x0  }
0x1f: {  	s9 =	smul.u32 $0xF7A, s1;
	s8 =	simm.s32 @!p0 $0x1BF5;
	p2 =	por !p2, p0  }
0x20: {  	[sflag:s8] =	ssyncset.s32 @!p0 $0xFFFFF086;
	s6 =	sadd.s32 @!p0 s3, s7;
	s7 =	simm.s32 @!p0 $0x108  }
0x21: {  	s3 =	sadd.s32 s3, s9;
	s6 =	sadd.s32 @!p0 $0x88, s6;
	s7 =	simm.s32 @p2 $0x1082  }
0x22: {  	[simem:s7], [sflag:s8] =	dma.local @!p0 [hbm:s6], $0xF7A  }
0x23: {  	s9 =	sor.u32 $0xD0000000, s2;
	s6 =	simm.s32 $0x108;
	_ =	swait.ge @!p0 [sflag:s8], $0x0  }
0x24: {  	s3 =	sadd.s32 $0x88, s3;
	s6 =	simm.s32 @!p1 $0x1082;
	[sflag:s4] =	ssyncset.s32 $0xFFFFF086  }
0x25: {  	[simem:s6], [sflag:s4] =	dma.local [hbm:s3], $0xF7A  }
0x26: {  	[smem:$0x3F9C] =	sst s1;
	(tag) =	ssettag s2;
	_ =	strace s9  }
0x27: {  	s1 =	sld [smem:$0x3FAC]  }
0x28: {  	s2 =	sld [smem:$0x3FAD]  }
0x29: {  	s4 =	sld [smem:$0x3FAF]  }
0x2a: {  	p0 =	seq.s32 s5, $0x0;
	s5 =	sld [smem:$0x3FB0]  }
0x2b: {  	s6 =	sld [smem:$0x3FB1]  }
0x2c: {  	s7 =	sld [smem:$0x3FB2]  }
0x2d: {  	s3 =	simm.s32 $0x108;
	s8 =	sld [smem:$0x3FB3]  }
0x2e: {  	s3 =	simm.s32 @!p0 $0x1082;
	s9 =	sld [smem:$0x3FB4]  }
0x2f: {  	lr =	sadd.s32 s0, s3;
	s0 =	sld [smem:$0x3FAB]  }
0x30: {  	s3 =	sld [smem:$0x3FAE]  }
0x31: {  	[smem:$0x3FB7] =	sst s10  }
0x32: {  	s10 =	sld [smem:$0x3FB5];
	_ =	sdelay $0x3  }
0x33: {  	p0 =	seq.s32 s10, $0x1;
	s10 =	sld [smem:$0x3FB7];
	_ =	sdelay $0x3  }
0x34: {  	[smem:$0x3FB7] =	sst s10  }
0x35: {  	s10 =	sld [smem:$0x3FB6];
	_ =	sdelay $0x3  }
0x36: {  	p1 =	seq.s32 s10, $0x1;
	s10 =	sld [smem:$0x3FB7];
	_ =	sdelay $0x3  }
0x37: {  	[smem:$0x3FB7] =	sst s10  }
0x38: {  	s10 =	sld [smem:$0x3FB8]  }
0x39: {  	_ = 	snop;
	(pc) =	sbr.ind lr, $3  }
0x3a: {  	_ = 	snop  }
0x3b: {  	_ = 	snop  }
0x3c: {  	p2 =	seq.s32 s10, $0x1;
	s10 =	sld [smem:$0x3FB7]  }
0x3d: {  	_ =	shalt  }
0x3e: {  	_ =	shalt  }
0x3f: {  	_ =	shalt  }
0x40: {  	_ =	shalt  }
0x41: {  	_ =	shalt  }
0x42: {  	_ =	shalt  }
0x43: {  	_ =	shalt  }
0x44: {  	_ =	shalt  }
0x45: {  	_ =	shalt  }
0x46: {  	_ =	shalt  }
0x47: {  	_ =	shalt  }
0x48: {  	_ =	shalt  }
0x49: {  	_ =	shalt  }
0x4a: {  	_ =	shalt  }
0x4b: {  	_ =	shalt  }
0x4c: {  	_ =	shalt  }
0x4d: {  	_ =	shalt  }
0x4e: {  	_ =	shalt  }
0x4f: {  	_ =	shalt  }
0x50: {  	_ =	shalt  }
0x51: {  	_ =	shalt  }
0x52: {  	_ =	shalt  }
0x53: {  	_ =	shalt  }
0x54: {  	_ =	shalt  }
0x55: {  	_ =	shalt  }
0x56: {  	_ =	shalt  }
0x57: {  	_ =	shalt  }
0x58: {  	_ =	shalt  }
0x59: {  	_ =	shalt  }
0x5a: {  	_ =	shalt  }
0x5b: {  	_ =	shalt  }
0x5c: {  	_ =	shalt  }
0x5d: {  	_ =	shalt  }
0x5e: {  	_ =	shalt  }
0x5f: {  	_ =	shalt  }
0x60: {  	_ =	shalt  }
0x61: {  	_ =	shalt  }
0x62: {  	_ =	shalt  }
0x63: {  	_ =	shalt  }
0x64: {  	_ =	shalt  }
0x65: {  	_ =	shalt  }
0x66: {  	_ =	shalt  }
0x67: {  	_ =	shalt  }
0x68: {  	_ =	shalt  }
0x69: {  	_ =	shalt  }
0x6a: {  	_ =	shalt  }
0x6b: {  	_ =	shalt  }
0x6c: {  	_ =	shalt  }
0x6d: {  	_ =	shalt  }
0x6e: {  	_ =	shalt  }
0x6f: {  	_ =	shalt  }
0x70: {  	_ =	shalt  }
0x71: {  	_ =	shalt  }
0x72: {  	_ =	shalt  }
0x73: {  	_ =	shalt  }
0x74: {  	_ =	shalt  }
0x75: {  	_ =	shalt  }
0x76: {  	_ =	shalt  }
0x77: {  	_ =	shalt  }
0x78: {  	_ =	shalt  }
0x79: {  	_ =	shalt  }
0x7a: {  	_ =	shalt  }
0x7b: {  	_ =	shalt  }
0x7c: {  	_ =	shalt  }
0x7d: {  	_ =	shalt  }
0x7e: {  	_ =	shalt  }
0x7f: {  	_ =	shalt  }
0x80: {  	_ =	shalt  }
0x81: {  	_ =	shalt  }
0x82: {  	_ =	shalt  }
0x83: {  	_ =	shalt  }
0x84: {  	_ =	shalt  }
0x85: {  	_ =	shalt  }
0x86: {  	_ =	shalt  }
0x87: {  	_ =	shalt  }
.Lfunc_end0:
.L_simem_size_0:
called_computation_lowered:
.L_overlay_start_0:
0x88: {  	s2 =	sld [smem:$0x3FD9]  }
0x89: {  	s3 =	sld [smem:$0x3FFE];
	_ =	sdelay $0x1  }
0x8a: {  	s1 =	srdreg.scid  }
0x8b: {  	s0 =	sand.u32 $0x1, s1  }
0x8c: {  	s17 =	sshll.u32 s0, $0xA;
	s2 =	sadd.s32 s3, s2  }
0x8d: {  	s2 =	sadd.s32 s2, s17  }
0x8e: {  	[smem:$0x3FC3] =	sst s2  }
0x8f: {  	_ = 	snop  }
0x90: {  	s2 =	sld [smem:$0x3FC9]  }
0x91: {  	s18 =	sld [smem:$0x3FC8];
	(tm) =	ssettm $0x1  }
0x92: {  	s4 =	sld [smem:$0x3FFB];
	_ =	sdelay $0x3  }
0x93: {  	_ =	strace s4  }
0x94: {  	s4 =	sld [smem:$0x3FFC];
	_ =	sdelay $0x3  }
0x95: {  	_ =	strace s4  }
0x96: {  	s4 =	sld [smem:$0x3FFD];
	_ =	sdelay $0x3  }
0x97: {  	_ =	strace s4  }
0x98: {  	_ =	strace $0x8FFFFFFF  }
0x99: {  	s19 =	sld [smem:$0x3FDB];
	_ =	sdelay $0x1  }
0x9a: {  	s5 =	simm.s32 $_scs_section_size  }
0x9b: {  	s6 =	simm.s32 $_size__tile_overlayer_lowered;
	s7 =	simm.s32 $_tile_overlayer_lowered  }
0x9c: {  	s22 =	simm.s32 $0x1BFF;
	s21 =	sshll.u32 s7, $0x1;
	s4 =	sadd.s32 s5, s19  }
0x9d: {  	s8 =	simm.s32 $0x0;
	s20 =	sshll.u32 s6, $0x1;
	s6 =	sadd.s32 s21, s4  }
0x9e: {  	[timem:s8], [sflag:s22] =	dma.local [hbm:s6], s20  }
0x9f: {  	_ =	swait.ge [sflag:s22], s20  }
0xa0: {  	s5 =	ssub.s32 $0x0, s20;
	[sflag:s22] =	ssyncset.done $0x0  }
0xa1: {  	[sflag:s22] =	ssyncadd.s32 s5;
	_ =	sdelay $0x1  }
0xa2: {  	s23 =	simm.s32 $0x1B8B  }
0xa3: {  	_ =	swait.ge [sflag:s23], $0x1  }
0xa4: {  	[sflag:s23] =	ssyncset.done $0x0  }
0xa5: {  	s25 =	simm.s32 $0x1B8E;
	s24 =	sld [smem:$0x3FFE];
	[sflag:s23] =	ssyncadd.s32 $0xFFFFFFFF  }
0xa6: {  	s26 =	simm.s32 $execute0_lowered;
	[smem:$0x3FD2] =	sst s25  }
0xa7: {  	s6 =	sshll.u32 s26, $0x1;
	_ =	strace $0x80000046;
	[dreg:$0x1] =	wrdreg $0xFFFFFFFF  }
0xa8: {  	s28 =	simm.s32 $_size_execute0_lowered;
	s4 =	sadd.s32 s4, s6;
	[dreg:$0x0] =	wrdreg $0x0  }
0xa9: {  	s6 =	sshll.u32 s28, $0x1;
	[dreg:$0x2] =	wrdreg s4  }
0xaa: {  	[dreg:$0x3] =	wrdreg s6  }
0xab: {  	[dreg:$0x4] =	wrdreg $0xC0  }
0xac: {  	_ =	task [dreg:s8], $0x5FFFF  }
0xad: {  	[dreg:$0x1] =	wrdreg $0xFFFFFFFF  }
0xae: {  	[dreg:$0x0] =	wrdreg $0x60  }
0xaf: {  	[dreg:$0x2] =	wrdreg s2  }
0xb0: {  	[dreg:$0x3] =	wrdreg s18  }
0xb1: {  	[dreg:$0x4] =	wrdreg s24  }
0xb2: {  	[dreg:$0x5] =	wrdreg $0x9  }
0xb3: {  	_ =	task.clear_ibuf [dreg:s8], $0x6FFFF;
	_ =	strace $0x90000046  }
0xb4: {  	s29 =	simm.s32 $0x9;
	_ =	strace $0x80000048  }
0xb5: {  	_ =	swait.ge [sflag:s29], $0x1  }
0xb6: {  	[sflag:s29] =	ssyncadd.s32 $0xFFFFFFFF  }
0xb7: {  	_ =	strace $0x90000048  }
0xb8: {  	_ =	sfence  }
0xb9: {  	s30 =	sld [smem:$0x0];
	_ =	sdelay $0x2  }
0xba: {  	s31 =	sshll.u32 s1, $0xD;
	s1 =	sshrl.u32 s1, $0x2  }
0xbb: {  	s3 =	sand.u32 $0x4000, s31;
	s1 =	sadd.s32 s1, s30  }
0xbc: {  	s0 =	sor.u32 s3, s0;
	s1 =	sshll.u32 s1, $0x11  }
0xbd: {  	s0 =	sor.u32 s1, s0  }
0xbe: {  	s0 =	sadd.s32 $0x8F2B, s0  }
0xbf: {  	[sflag:s0] =	ssyncadd.remote.s32 $0x1  }
0xc0: {  	_ =	sfence.sel $0xFFFF  }
0xc1: {  	[dreg:$0x0] =	wrdreg $0xFFFFFFFF;
	(pc) =	sbr.abs _section_cstart, $3  }
0xc2: {  	[dreg:$0x1] =	wrdreg $0xFFFFFFFF  }
0xc3: {  	_ =	task.clear_ibuf [dreg:s8], $0x2FFFF;
	_ =	strace $0x9FFFFFFF  }
0xc4: {  	(tm) =	ssettm $0x7FFFFFFF  }
0xc5: {  	_ =	shalt  }
tec
execute0_lowered:
.L_overlay_start_1:
0x0: {  	(tag) =	ssettag $0x1  }
0x1: {  	s0 =	rddreg [dreg:$0x2]  }
0x2: {  	s1 =	srdreg.scid;
	s3 =	simm.s32 $0x0;
	s2 =	stileid.u32  }
0x3: {  	v0 =	vimm.s32 $0xFEDCBA98;
	v1 =	vimm.s32 $0x76543210;
	s21 =	simm.s32 $0x3;
	s28 =	simm.s32 $0xD080;
	s29 =	simm.s32 $0xE080  }
0x4: {  	v2 =	vimm.s32 $0x3210FEDC;
	s30 =	simm.s32 $0xF080;
	s31 =	simm.s32 $0x10080;
	s11 =	simm.s32 $0x13080  }
0x5: {  	v3 =	vimm.s32 $0xBA987654;
	s12 =	simm.s32 $0x14080;
	s20 =	simm.s32 $0x15080;
	s4 =	simm.s32 $0x16080  }
0x6: {  	v4 =	vimm.s32 $0x10FEDCBA;
	v5 =	vimm.s32 $0x98765432;
	s8 =	simm.s32 $0x17080;
	s9 =	simm.s32 $0x18080;
	s10 =	simm.s32 $0x2  }
0x7: {  	v6 =	vimm.s32 $0xFEDCBA9;
	v7 =	vimm.s32 $0x87654321;
	s16 =	simm.s32 $0x1;
	s1 =	sand.u32 $0x1, s1;
	[smem:$0x7FF] =	sst s3  }
0x8: {  	s2 =	sshll.u32 s2, $0xA;
	v0 =	vunpack.c.l.s4.s8 v0;
	v1 =	vunpack.c.l.s4.s8 v1;
	v2 =	vunpack.c.l.s4.s8 v2;
	s22 =	sshll.u32 s1, $0x9;
	s1 =	ssub.s32 $0x2, s1  }
0x9: {  	s6 =	sadd.s32 $0x16E4400, s0;
	v3 =	vunpack.c.l.s4.s8 v3;
	v4 =	vunpack.c.l.s4.s8 v4;
	v5 =	vunpack.c.l.s4.s8 v5;
	s5 =	sor.u32 s22, s2;
	s23 =	sshrl.u32 s1, $0x1  }
0xa: {  	s7 =	sadd.s32 $0xF43200, s0;
	v6 =	vunpack.c.l.s4.s8 v6;
	v7 =	vunpack.c.l.s4.s8 v7;
	v0 =	vunpack.c.0.s8.s32 v0;
	s2 =	sshrl.u32 s5, $0x3;
	s1 =	ssub.s32 s1, s23  }
0xb: {  	s3 =	simm.s32 $0x12080;
	v2 =	vunpack.c.0.s8.s32 v2;
	v3 =	vunpack.c.0.s8.s32 v3;
	v4 =	vunpack.c.0.s8.s32 v4;
	s0 =	sadd.s32 s2, s0;
	s26 =	smax.u32 s1, $0x1  }
0xc: {  	_ =	strace $0x80000047;
	v5 =	vunpack.c.0.s8.s32 v5;
	v6 =	vunpack.c.0.s8.s32 v6;
	v7 =	vunpack.c.0.s8.s32 v7;
	s24 =	sadd.s32 $0xE00, s0;
	[dreg:$0x7] =	wrdreg s26  }
0xd: {  	s22 =	simm.s32 $0x40;
	v1 =	vunpack.c.0.s8.s32 v1;
	v2 =	vcombine.low v3, v2;
	s25 =	sadd.s32 $0xCE00, s0;
	[dreg:$0x4] =	wrdreg s24  }
0xe: {  	s23 =	simm.s32 $0x9080;
	v3 =	vcombine.low v5, v4;
	v4 =	vand.u32 $0xF, v0;
	v5 =	vcombine.low v7, v6;
	s0 =	sadd.s32 $0xD600, s0;
	[dreg:$0x5] =	wrdreg s25  }
0xf: {  	v0 =	vlaneseq.u32;
	s2 =	simm.s32 $0x0;
	s26 =	simm.s32 $0xC080;
	v1 =	vcombine.low v4, v1;
	[dreg:$0x6] =	wrdreg s0  }
0x10: {  	s24 =	simm.s32 $0xA080;
	s25 =	simm.s32 $0xB080;
	s0 =	simm.s32 $0x11080;
	v2 =	vand.u32 $0xF, v2;
	v3 =	vand.u32 $0xF, v3;
	v4 =	vand.u32 $0xF, v5  }
.LBB2_1:
0x11: {  	[dreg:$0x8] =	wrdreg s2  }
0x12: {  	s1 =	rddreg [dreg:$0x4]  }
0x13: {  	s19 =	simm.s32 $0x200;
	s13 =	simm.s32 $0x4000;
	s14 =	simm.s32 $0x80  }
0x14: {  	[tilespmem:s14], [sflag:$0x3] =	stream.strided.gather [hbm4b:s1+s19], $0x3000, s13, s19, $0x38;
	[tilespmem:$0x19480] =	vst v63  }
0x15: {  	_ =	swait.ge [sflag:s21], $0x3000  }
0x16: {  	s15 =	simm.s32 $0x19271;
	[sflag:s21] =	ssyncset.done $0x0  }
0x17: {  	s18 =	simm.s32 $0x19071;
	s13 =	simm.s32 $0x0;
	[sflag:s21] =	ssyncadd.s32 $0xFFFFD000  }
.LBB2_2:
0x18: {  	s1 =	sshll.u32 s13, $0x6  }
0x19: {  	s2 =	sor.u32 s5, s1  }
0x1a: {  	s14 =	rddreg [dreg:$0x0];
	s2 =	sshrl.u32 s2, $0x3  }
0x1b: {  	s17 =	sadd.s32 s14, s2;
	s14 =	simm.s32 $0x0  }
0x1c: {  	[tilespmem:s14], [sflag:$0x3] =	stream.linear.gather [hbm4b:s17+s14], $0x40, $0x38;
	[tilespmem:$0x19480] =	vst v63  }
0x1d: {  	_ =	swait.ge [sflag:s21], $0x40  }
0x1e: {  	[sflag:s21] =	ssyncset.done $0x0  }
0x1f: {  	[sflag:s21] =	ssyncadd.s32 $0xFFFFFFC0  }
0x20: {  	s19 =	rddreg [dreg:$0x1]  }
0x21: {  	s2 =	sadd.s32 s19, s2  }
0x22: {  	[tilespmem:s22], [sflag:$0x3] =	stream.linear.gather [hbm4b:s2+s14], $0x40, $0x38;
	[tilespmem:$0x19480] =	vst v63  }
0x23: {  	_ =	swait.ge [sflag:s21], $0x40  }
0x24: {  	[sflag:s21] =	ssyncset.done $0x0  }
0x25: {  	s17 =	simm.s32 $0x3080;
	[sflag:s21] =	ssyncadd.s32 $0xFFFFFFC0  }
0x26: {  	[tilespmem:s17], [sflag:$0x2] =	stream.indirect.gather [hbm4b:s6+s22], $0x40, s14, s22, $0xb8;
	[tilespmem:$0x19480] =	vst v63  }
0x27: {  	s19 =	simm.s32 $0x4080  }
0x28: {  	[tilespmem:s19], [sflag:$0x2] =	stream.indirect.gather [hbm4b:s7+s22], $0x40, s22, s22, $0xb8;
	[tilespmem:$0x19480] =	vst v63  }
0x29: {  	s17 =	sadd.s32 $0x80, s1;
	s19 =	simm.s32 $0x5080  }
0x2a: {  	[tilespmem:s19], [sflag:$0x1] =	stream.indirect.gather [hbm4b:s7+s22], $0x40, s17, s22, $0xb8;
	[tilespmem:$0x19480] =	vst v63  }
0x2b: {  	s17 =	sadd.s32 $0x280, s1;
	s19 =	simm.s32 $0x6080  }
0x2c: {  	[tilespmem:s19], [sflag:$0x1] =	stream.indirect.gather [hbm4b:s7+s22], $0x40, s17, s22, $0xb8;
	[tilespmem:$0x19480] =	vst v63  }
0x2d: {  	s17 =	sadd.s32 $0x480, s1;
	s19 =	simm.s32 $0x7080  }
0x2e: {  	[tilespmem:s19], [sflag:$0x1] =	stream.indirect.gather [hbm4b:s7+s22], $0x40, s17, s22, $0xb8;
	[tilespmem:$0x19480] =	vst v63  }
0x2f: {  	s17 =	sadd.s32 $0x680, s1;
	s19 =	simm.s32 $0x8080  }
0x30: {  	[tilespmem:s19], [sflag:$0x1] =	stream.indirect.gather [hbm4b:s7+s22], $0x40, s17, s22, $0xb8;
	[tilespmem:$0x19480] =	vst v63  }
0x31: {  	s19 =	sadd.s32 $0x880, s1  }
0x32: {  	[tilespmem:s23], [sflag:$0x1] =	stream.indirect.gather [hbm4b:s7+s22], $0x40, s19, s22, $0xb8;
	[tilespmem:$0x19480] =	vst v63  }
0x33: {  	s17 =	sadd.s32 $0xA80, s1  }
0x34: {  	[tilespmem:s24], [sflag:$0x1] =	stream.indirect.gather [hbm4b:s7+s22], $0x40, s17, s22, $0xb8;
	[tilespmem:$0x19480] =	vst v63  }
0x35: {  	s19 =	sadd.s32 $0xC80, s1  }
0x36: {  	[tilespmem:s25], [sflag:$0x1] =	stream.indirect.gather [hbm4b:s7+s22], $0x40, s19, s22, $0xb8;
	[tilespmem:$0x19480] =	vst v63  }
0x37: {  	s17 =	sadd.s32 $0xE80, s1  }
0x38: {  	[tilespmem:s26], [sflag:$0x1] =	stream.indirect.gather [hbm4b:s7+s22], $0x40, s17, s22, $0xb8;
	[tilespmem:$0x19480] =	vst v63  }
0x39: {  	s19 =	sadd.s32 $0x1080, s1  }
0x3a: {  	[tilespmem:s28], [sflag:$0x1] =	stream.indirect.gather [hbm4b:s7+s22], $0x40, s19, s22, $0xb8;
	[tilespmem:$0x19480] =	vst v63  }
0x3b: {  	s17 =	sadd.s32 $0x1280, s1  }
0x3c: {  	[tilespmem:s29], [sflag:$0x1] =	stream.indirect.gather [hbm4b:s7+s22], $0x40, s17, s22, $0xb8;
	[tilespmem:$0x19480] =	vst v63  }
0x3d: {  	s19 =	sadd.s32 $0x1480, s1  }
0x3e: {  	[tilespmem:s30], [sflag:$0x1] =	stream.indirect.gather [hbm4b:s7+s22], $0x40, s19, s22, $0xb8;
	[tilespmem:$0x19480] =	vst v63  }
0x3f: {  	s17 =	sadd.s32 $0x1680, s1  }
0x40: {  	[tilespmem:s31], [sflag:$0x1] =	stream.indirect.gather [hbm4b:s7+s22], $0x40, s17, s22, $0xb8;
	[tilespmem:$0x19480] =	vst v63  }
0x41: {  	s19 =	sadd.s32 $0x1880, s1  }
0x42: {  	[tilespmem:s0], [sflag:$0x1] =	stream.indirect.gather [hbm4b:s7+s22], $0x40, s19, s22, $0xb8;
	[tilespmem:$0x19480] =	vst v63  }
0x43: {  	s17 =	sadd.s32 $0x1A80, s1  }
0x44: {  	[tilespmem:s3], [sflag:$0x1] =	stream.indirect.gather [hbm4b:s7+s22], $0x40, s17, s22, $0xb8;
	[tilespmem:$0x19480] =	vst v63  }
0x45: {  	s19 =	sadd.s32 $0x1C80, s1  }
0x46: {  	[tilespmem:s11], [sflag:$0x1] =	stream.indirect.gather [hbm4b:s7+s22], $0x40, s19, s22, $0xb8;
	[tilespmem:$0x19480] =	vst v63  }
0x47: {  	s17 =	sadd.s32 $0x1E80, s1  }
0x48: {  	[tilespmem:s12], [sflag:$0x1] =	stream.indirect.gather [hbm4b:s7+s22], $0x40, s17, s22, $0xb8;
	[tilespmem:$0x19480] =	vst v63  }
0x49: {  	s19 =	sadd.s32 $0x2080, s1  }
0x4a: {  	[tilespmem:s20], [sflag:$0x1] =	stream.indirect.gather [hbm4b:s7+s22], $0x40, s19, s22, $0xb8;
	[tilespmem:$0x19480] =	vst v63  }
0x4b: {  	s17 =	sadd.s32 $0x2280, s1  }
0x4c: {  	[tilespmem:s4], [sflag:$0x1] =	stream.indirect.gather [hbm4b:s7+s22], $0x40, s17, s22, $0xb8;
	[tilespmem:$0x19480] =	vst v63  }
0x4d: {  	s19 =	sadd.s32 $0x2480, s1  }
0x4e: {  	[tilespmem:s8], [sflag:$0x1] =	stream.indirect.gather [hbm4b:s7+s22], $0x40, s19, s22, $0xb8;
	[tilespmem:$0x19480] =	vst v63  }
0x4f: {  	s1 =	sadd.s32 $0x2680, s1  }
0x50: {  	[tilespmem:s9], [sflag:$0x1] =	stream.indirect.gather [hbm4b:s7+s22], $0x40, s1, s22, $0xb8;
	[tilespmem:$0x19480] =	vst v63  }
0x51: {  	_ =	swait.ge [sflag:s10], $0x1000  }
0x52: {  	[sflag:s10] =	ssyncset.done $0x0  }
0x53: {  	[sflag:s10] =	ssyncadd.s32 $0xFFFFF000  }
0x54: {  	_ =	swait.ge [sflag:s10], $0x1000  }
0x55: {  	[sflag:s10] =	ssyncset.done $0x0  }
0x56: {  	[sflag:s10] =	ssyncadd.s32 $0xFFFFF000  }
0x57: {  	_ =	swait.ge [sflag:s16], $0x1000  }
0x58: {  	[sflag:s16] =	ssyncset.done $0x0  }
0x59: {  	[sflag:s16] =	ssyncadd.s32 $0xFFFFF000  }
0x5a: {  	_ =	swait.ge [sflag:s16], $0x1000  }
0x5b: {  	[sflag:s16] =	ssyncset.done $0x0  }
0x5c: {  	[sflag:s16] =	ssyncadd.s32 $0xFFFFF000  }
0x5d: {  	_ =	swait.ge [sflag:s16], $0x1000  }
0x5e: {  	[sflag:s16] =	ssyncset.done $0x0  }
0x5f: {  	[sflag:s16] =	ssyncadd.s32 $0xFFFFF000  }
0x60: {  	_ =	swait.ge [sflag:s16], $0x1000  }
0x61: {  	[sflag:s16] =	ssyncset.done $0x0  }
0x62: {  	[sflag:s16] =	ssyncadd.s32 $0xFFFFF000  }
0x63: {  	_ =	swait.ge [sflag:s16], $0x1000  }
0x64: {  	[sflag:s16] =	ssyncset.done $0x0  }
0x65: {  	[sflag:s16] =	ssyncadd.s32 $0xFFFFF000  }
0x66: {  	_ =	swait.ge [sflag:s16], $0x1000  }
0x67: {  	[sflag:s16] =	ssyncset.done $0x0  }
0x68: {  	[sflag:s16] =	ssyncadd.s32 $0xFFFFF000  }
0x69: {  	_ =	swait.ge [sflag:s16], $0x1000  }
0x6a: {  	[sflag:s16] =	ssyncset.done $0x0  }
0x6b: {  	[sflag:s16] =	ssyncadd.s32 $0xFFFFF000  }
0x6c: {  	_ =	swait.ge [sflag:s16], $0x1000  }
0x6d: {  	[sflag:s16] =	ssyncset.done $0x0  }
0x6e: {  	[sflag:s16] =	ssyncadd.s32 $0xFFFFF000  }
0x6f: {  	_ =	swait.ge [sflag:s16], $0x1000  }
0x70: {  	[sflag:s16] =	ssyncset.done $0x0  }
0x71: {  	[sflag:s16] =	ssyncadd.s32 $0xFFFFF000  }
0x72: {  	_ =	swait.ge [sflag:s16], $0x1000  }
0x73: {  	[sflag:s16] =	ssyncset.done $0x0  }
0x74: {  	[sflag:s16] =	ssyncadd.s32 $0xFFFFF000  }
0x75: {  	_ =	swait.ge [sflag:s16], $0x1000  }
0x76: {  	[sflag:s16] =	ssyncset.done $0x0  }
0x77: {  	[sflag:s16] =	ssyncadd.s32 $0xFFFFF000  }
0x78: {  	_ =	swait.ge [sflag:s16], $0x1000  }
0x79: {  	[sflag:s16] =	ssyncset.done $0x0  }
0x7a: {  	[sflag:s16] =	ssyncadd.s32 $0xFFFFF000  }
0x7b: {  	_ =	swait.ge [sflag:s16], $0x1000  }
0x7c: {  	[sflag:s16] =	ssyncset.done $0x0  }
0x7d: {  	[sflag:s16] =	ssyncadd.s32 $0xFFFFF000  }
0x7e: {  	_ =	swait.ge [sflag:s16], $0x1000  }
0x7f: {  	[sflag:s16] =	ssyncset.done $0x0  }
0x80: {  	[sflag:s16] =	ssyncadd.s32 $0xFFFFF000  }
0x81: {  	_ =	swait.ge [sflag:s16], $0x1000  }
0x82: {  	[sflag:s16] =	ssyncset.done $0x0  }
0x83: {  	[sflag:s16] =	ssyncadd.s32 $0xFFFFF000  }
0x84: {  	_ =	swait.ge [sflag:s16], $0x1000  }
0x85: {  	[sflag:s16] =	ssyncset.done $0x0  }
0x86: {  	[sflag:s16] =	ssyncadd.s32 $0xFFFFF000  }
0x87: {  	_ =	swait.ge [sflag:s16], $0x1000  }
0x88: {  	[sflag:s16] =	ssyncset.done $0x0  }
0x89: {  	[sflag:s16] =	ssyncadd.s32 $0xFFFFF000  }
0x8a: {  	_ =	swait.ge [sflag:s16], $0x1000  }
0x8b: {  	[sflag:s16] =	ssyncset.done $0x0  }
0x8c: {  	[sflag:s16] =	ssyncadd.s32 $0xFFFFF000  }
0x8d: {  	_ =	swait.ge [sflag:s16], $0x1000  }
0x8e: {  	[sflag:s16] =	ssyncset.done $0x0  }
0x8f: {  	[sflag:s16] =	ssyncadd.s32 $0xFFFFF000  }
0x90: {  	_ =	swait.ge [sflag:s16], $0x1000  }
0x91: {  	[sflag:s16] =	ssyncset.done $0x0  }
0x92: {  	s17 =	simm.s32 $0x0;
	[sflag:s16] =	ssyncadd.s32 $0xFFFFF000  }
0x93: {  	v5 =	vld [tilespmem:s17+$0x40B0]  }
0x94: {  	v6 =	vld [tilespmem:s17+$0x40A0]  }
0x95: {  	v7 =	vld [tilespmem:s17+$0x170B0]  }
0x96: {  	v8 =	vld [tilespmem:s17+$0x4080]  }
0x97: {  	v9 =	vld [tilespmem:s17+$0x4090]  }
0x98: {  	v10 =	vld [tilespmem:s17+$0x18080]  }
0x99: {  	v11 =	vld [tilespmem:s17+$0x18090]  }
0x9a: {  	v12 =	vld [tilespmem:s17+$0x170A0]  }
0x9b: {  	v13 =	vld [tilespmem:s17+$0x17080]  }
0x9c: {  	v14 =	vld [tilespmem:s17+$0x160A0]  }
0x9d: {  	v15 =	vld [tilespmem:s17+$0x16080]  }
0x9e: {  	v16 =	vld [tilespmem:s17+$0x150A0]  }
0x9f: {  	v17 =	vld [tilespmem:s17+$0x15080]  }
0xa0: {  	v18 =	vld [tilespmem:s17+$0x140A0]  }
0xa1: {  	v19 =	vld [tilespmem:s17+$0x14080]  }
0xa2: {  	v20 =	vld [tilespmem:s17+$0x130A0]  }
0xa3: {  	v21 =	vld [tilespmem:s17+$0x13080]  }
0xa4: {  	v22 =	vld [tilespmem:s17+$0x120A0]  }
0xa5: {  	v23 =	vld [tilespmem:s17+$0x12080]  }
0xa6: {  	v24 =	vld [tilespmem:s17+$0x110A0]  }
0xa7: {  	v25 =	vld [tilespmem:s17+$0x11080]  }
0xa8: {  	v26 =	vld [tilespmem:s17+$0x100A0]  }
0xa9: {  	v27 =	vld [tilespmem:s17+$0x10080]  }
0xaa: {  	v28 =	vld [tilespmem:s17+$0xF0A0]  }
0xab: {  	v29 =	vld [tilespmem:s17+$0xF080]  }
0xac: {  	v30 =	vld [tilespmem:s17+$0xE0A0]  }
0xad: {  	v31 =	vld [tilespmem:s17+$0xE080]  }
0xae: {  	v32 =	vld [tilespmem:s17+$0xD0A0]  }
0xaf: {  	v33 =	vld [tilespmem:s17+$0xD080]  }
0xb0: {  	v34 =	vld [tilespmem:s17+$0xC0A0]  }
0xb1: {  	v35 =	vld [tilespmem:s17+$0xC080]  }
0xb2: {  	v36 =	vld [tilespmem:s17+$0xB0A0]  }
0xb3: {  	v37 =	vld [tilespmem:s17+$0xB080]  }
0xb4: {  	v38 =	vld [tilespmem:s17+$0xA0A0]  }
0xb5: {  	v39 =	vld [tilespmem:s17+$0xA080]  }
0xb6: {  	v40 =	vld [tilespmem:s17+$0x90A0]  }
0xb7: {  	v41 =	vld [tilespmem:s17+$0x9080]  }
0xb8: {  	v42 =	vld [tilespmem:s17+$0x80A0]  }
0xb9: {  	v43 =	vld [tilespmem:s17+$0x8080]  }
0xba: {  	v44 =	vld [tilespmem:s17+$0x70A0]  }
0xbb: {  	v45 =	vld [tilespmem:s17+$0x60B0]  }
0xbc: {  	v46 =	vld [tilespmem:s17+$0x7080]  }
0xbd: {  	v47 =	vld [tilespmem:s17+$0x60A0]  }
0xbe: {  	v48 =	vld [tilespmem:s17+$0x6080]  }
0xbf: {  	v49 =	vld [tilespmem:s17+$0x5080]  }
0xc0: {  	v50 =	vld [tilespmem:s17+$0x6090]  }
0xc1: {  	v51 =	vld [tilespmem:s17+$0x5090]  }
0xc2: {  	v52 =	vld [tilespmem:s17+$0x50A0]  }
0xc3: {  	v53 =	vld [tilespmem:s17+$0x7090]  }
0xc4: {  	v54 =	vld [tilespmem:s17+$0x50B0]  }
0xc5: {  	v55 =	vld [tilespmem:s17+$0x8090]  }
0xc6: {  	v57 =	vld [tilespmem:s17+$0x70B0];
	v48 =	vadd.f32 v48, v49;
	v56 =	vadd.f32 v50, v51  }
0xc7: {  	v58 =	vld [tilespmem:s17+$0x9090];
	v47 =	vadd.f32 v47, v52  }
0xc8: {  	v60 =	vld [tilespmem:s17+$0x80B0];
	v46 =	vadd.f32 v46, v48;
	v59 =	vadd.f32 v53, v56  }
0xc9: {  	v61 =	vld [tilespmem:s17+$0xA090];
	v45 =	vadd.f32 v45, v54;
	v44 =	vadd.f32 v44, v47  }
0xca: {  	v63 =	vld [tilespmem:s17+$0x90B0];
	v43 =	vadd.f32 v43, v46;
	v62 =	vadd.f32 v55, v59  }
0xcb: {  	v50 =	vld [tilespmem:s17+$0xB090];
	v45 =	vadd.f32 v57, v45;
	v42 =	vadd.f32 v42, v44  }
0xcc: {  	v52 =	vld [tilespmem:s17+$0xA0B0];
	v41 =	vadd.f32 v41, v43;
	v51 =	vadd.f32 v58, v62  }
0xcd: {  	v53 =	vld [tilespmem:s17+$0xC090];
	v45 =	vadd.f32 v60, v45;
	v40 =	vadd.f32 v40, v42  }
0xce: {  	v55 =	vld [tilespmem:s17+$0xB0B0];
	v39 =	vadd.f32 v39, v41;
	v54 =	vadd.f32 v61, v51  }
0xcf: {  	v56 =	vld [tilespmem:s17+$0xD090];
	v45 =	vadd.f32 v63, v45;
	v38 =	vadd.f32 v38, v40  }
0xd0: {  	v58 =	vld [tilespmem:s17+$0xC0B0];
	v37 =	vadd.f32 v37, v39;
	v57 =	vadd.f32 v50, v54  }
0xd1: {  	v60 =	vld [tilespmem:s17+$0xE090];
	v59 =	vadd.f32 v52, v45;
	v36 =	vadd.f32 v36, v38  }
0xd2: {  	v62 =	vld [tilespmem:s17+$0xD0B0];
	v35 =	vadd.f32 v35, v37;
	v61 =	vadd.f32 v53, v57  }
0xd3: {  	v44 =	vld [tilespmem:s17+$0xF090];
	v63 =	vadd.f32 v55, v59;
	v34 =	vadd.f32 v34, v36  }
0xd4: {  	v46 =	vld [tilespmem:s17+$0xE0B0];
	v33 =	vadd.f32 v33, v35;
	v45 =	vadd.f32 v56, v61  }
0xd5: {  	v48 =	vld [tilespmem:s17+$0x10090];
	v47 =	vadd.f32 v58, v63;
	v32 =	vadd.f32 v32, v34  }
0xd6: {  	v50 =	vld [tilespmem:s17+$0xF0B0];
	v31 =	vadd.f32 v31, v33;
	v49 =	vadd.f32 v60, v45  }
0xd7: {  	v52 =	vld [tilespmem:s17+$0x11090];
	v51 =	vadd.f32 v62, v47;
	v30 =	vadd.f32 v30, v32  }
0xd8: {  	v54 =	vld [tilespmem:s17+$0x100B0];
	v29 =	vadd.f32 v29, v31;
	v53 =	vadd.f32 v44, v49  }
0xd9: {  	v56 =	vld [tilespmem:s17+$0x12090];
	v55 =	vadd.f32 v46, v51;
	v28 =	vadd.f32 v28, v30  }
0xda: {  	v58 =	vld [tilespmem:s17+$0x110B0];
	v27 =	vadd.f32 v27, v29;
	v57 =	vadd.f32 v48, v53  }
0xdb: {  	v60 =	vld [tilespmem:s17+$0x13090];
	v59 =	vadd.f32 v50, v55;
	v26 =	vadd.f32 v26, v28  }
0xdc: {  	v62 =	vld [tilespmem:s17+$0x120B0];
	v25 =	vadd.f32 v25, v27;
	v61 =	vadd.f32 v52, v57  }
0xdd: {  	v36 =	vld [tilespmem:s17+$0x14090];
	v63 =	vadd.f32 v54, v59;
	v24 =	vadd.f32 v24, v26  }
0xde: {  	v38 =	vld [tilespmem:s17+$0x130B0];
	v23 =	vadd.f32 v23, v25;
	v37 =	vadd.f32 v56, v61  }
0xdf: {  	v40 =	vld [tilespmem:s17+$0x15090];
	v39 =	vadd.f32 v58, v63;
	v22 =	vadd.f32 v22, v24  }
0xe0: {  	v42 =	vld [tilespmem:s17+$0x140B0];
	v21 =	vadd.f32 v21, v23;
	v41 =	vadd.f32 v60, v37  }
0xe1: {  	v44 =	vld [tilespmem:s17+$0x16090];
	v43 =	vadd.f32 v62, v39;
	v20 =	vadd.f32 v20, v22  }
0xe2: {  	v46 =	vld [tilespmem:s17+$0x150B0];
	v19 =	vadd.f32 v19, v21;
	v45 =	vadd.f32 v36, v41  }
0xe3: {  	v48 =	vld [tilespmem:s17+$0x17090];
	v47 =	vadd.f32 v38, v43;
	v18 =	vadd.f32 v18, v20  }
0xe4: {  	v50 =	vld [tilespmem:s17+$0x160B0];
	v17 =	vadd.f32 v17, v19;
	v49 =	vadd.f32 v40, v45  }
0xe5: {  	v51 =	vld [tilespmem:s17+$0x3080];
	v25 =	vadd.f32 v42, v47;
	v16 =	vadd.f32 v16, v18  }
0xe6: {  	v52 =	vld [tilespmem:s17+$0x3090];
	v15 =	vadd.f32 v15, v17;
	v53 =	vadd.f32 v44, v49  }
0xe7: {  	v55 =	vld [tilespmem:s17+$0x180A0];
	v54 =	vadd.f32 v46, v25;
	v14 =	vadd.f32 v14, v16  }
0xe8: {  	v56 =	vld [tilespmem:s17+$0x30A0];
	v13 =	vadd.f32 v13, v15;
	v57 =	vadd.f32 v48, v53  }
0xe9: {  	v59 =	vld [tilespmem:s17+$0x180B0];
	v58 =	vadd.f32 v50, v54;
	v12 =	vadd.f32 v12, v14  }
0xea: {  	v60 =	vld [tilespmem:s17+$0x30B0];
	v10 =	vadd.f32 v10, v13;
	v11 =	vadd.f32 v11, v57  }
0xeb: {  	v8 =	vmul.f32 v8, v51;
	v9 =	vmul.f32 v9, v52;
	v7 =	vadd.f32 v7, v58  }
0xec: {  	v12 =	vadd.f32 v55, v12;
	v10 =	vmul.f32 v10, v51;
	v11 =	vmul.f32 v11, v52  }
0xed: {  	v8 =	vadd.f32 v9, v8;
	v6 =	vmul.f32 v6, v56  }
0xee: {  	v7 =	vadd.f32 v59, v7;
	v62 =	vmul.f32 v12, v56;
	v61 =	vadd.f32 v11, v10  }
0xef: {  	v6 =	vadd.f32 v6, v8;
	v5 =	vmul.f32 v5, v60  }
0xf0: {  	v7 =	vmul.f32 v7, v60;
	v8 =	vadd.f32 v62, v61  }
0xf1: {  	v5 =	vadd.f32 v5, v6  }
0xf2: {  	v6 =	vadd.f32 v7, v8  }
0xf3: {  	v7 =	vperm.xlane v5, v1  }
0xf4: {  	v8 =	vperm.xlane v6, v1  }
0xf5: {  	v5 =	vadd.f32 v7, v5  }
0xf6: {  	v6 =	vadd.f32 v8, v6  }
0xf7: {  	v7 =	vperm.xlane v5, v2  }
0xf8: {  	v8 =	vperm.xlane v6, v2  }
0xf9: {  	v5 =	vadd.f32 v7, v5  }
0xfa: {  	v6 =	vadd.f32 v8, v6  }
0xfb: {  	v7 =	vperm.xlane v5, v3  }
0xfc: {  	v8 =	vperm.xlane v6, v3  }
0xfd: {  	v5 =	vadd.f32 v7, v5  }
0xfe: {  	v6 =	vadd.f32 v8, v6  }
0xff: {  	v7 =	vperm.xlane v5, v4  }
0x100: {  	s19 =	sand.u32 $0xF, s14;
	v8 =	vperm.xlane v6, v4  }
0x101: {  	v63 =	vmov s19;
	v5 =	vadd.f32 v7, v5  }
0x102: {  	vm0 =	veq.s32 v63, v0;
	v7 =	vimm.f32 $0.0e+00;
	v8 =	vadd.f32 v8, v6  }
0x103: {  	p1 =	sne.s32 s19, $0xF;
	v6 =	vsel vm0, v5, v7  }
0x104: {  	s2 =	smov.u32 s18;
	s1 =	smov.u32 s15;
	s17 =	simm.s32 $0x100;
	[tilespmem:s18+$0x0] =	vst @!p1 v6;
	v5 =	vsel vm0, v8, v7  }
.LBB2_3:
0x105: {  	s19 =	sshra.s32 s17, $0x2;
	[tilespmem:s1+$0x0] =	vst @!p1 v5  }
0x106: {  	v7 =	vld [tilespmem:s19+$0x40B0]  }
0x107: {  	v8 =	vld [tilespmem:s19+$0x40A0]  }
0x108: {  	v9 =	vld [tilespmem:s19+$0x170B0]  }
0x109: {  	v10 =	vld [tilespmem:s19+$0x4080]  }
0x10a: {  	v11 =	vld [tilespmem:s19+$0x4090]  }
0x10b: {  	v12 =	vld [tilespmem:s19+$0x18080]  }
0x10c: {  	v13 =	vld [tilespmem:s19+$0x18090]  }
0x10d: {  	v14 =	vld [tilespmem:s19+$0x170A0]  }
0x10e: {  	v15 =	vld [tilespmem:s19+$0x17080]  }
0x10f: {  	v16 =	vld [tilespmem:s19+$0x160A0]  }
0x110: {  	v17 =	vld [tilespmem:s19+$0x16080]  }
0x111: {  	v18 =	vld [tilespmem:s19+$0x150A0]  }
0x112: {  	v19 =	vld [tilespmem:s19+$0x15080]  }
0x113: {  	v20 =	vld [tilespmem:s19+$0x140A0]  }
0x114: {  	v21 =	vld [tilespmem:s19+$0x14080]  }
0x115: {  	v22 =	vld [tilespmem:s19+$0x130A0]  }
0x116: {  	v23 =	vld [tilespmem:s19+$0x13080]  }
0x117: {  	v24 =	vld [tilespmem:s19+$0x120A0]  }
0x118: {  	v25 =	vld [tilespmem:s19+$0x12080]  }
0x119: {  	v26 =	vld [tilespmem:s19+$0x110A0]  }
0x11a: {  	v27 =	vld [tilespmem:s19+$0x11080]  }
0x11b: {  	v28 =	vld [tilespmem:s19+$0x100A0]  }
0x11c: {  	v29 =	vld [tilespmem:s19+$0x10080]  }
0x11d: {  	v30 =	vld [tilespmem:s19+$0xF0A0]  }
0x11e: {  	v31 =	vld [tilespmem:s19+$0xF080]  }
0x11f: {  	v32 =	vld [tilespmem:s19+$0xE0A0]  }
0x120: {  	v33 =	vld [tilespmem:s19+$0xE080]  }
0x121: {  	v34 =	vld [tilespmem:s19+$0xD0A0]  }
0x122: {  	v35 =	vld [tilespmem:s19+$0xD080]  }
0x123: {  	v36 =	vld [tilespmem:s19+$0xC0A0]  }
0x124: {  	v37 =	vld [tilespmem:s19+$0xC080]  }
0x125: {  	v38 =	vld [tilespmem:s19+$0xB0A0]  }
0x126: {  	v39 =	vld [tilespmem:s19+$0xB080]  }
0x127: {  	v40 =	vld [tilespmem:s19+$0xA0A0]  }
0x128: {  	v41 =	vld [tilespmem:s19+$0xA080]  }
0x129: {  	v42 =	vld [tilespmem:s19+$0x90A0]  }
0x12a: {  	v43 =	vld [tilespmem:s19+$0x9080]  }
0x12b: {  	v44 =	vld [tilespmem:s19+$0x80A0]  }
0x12c: {  	v45 =	vld [tilespmem:s19+$0x8080]  }
0x12d: {  	v46 =	vld [tilespmem:s19+$0x70A0]  }
0x12e: {  	v47 =	vld [tilespmem:s19+$0x60B0]  }
0x12f: {  	v48 =	vld [tilespmem:s19+$0x7080]  }
0x130: {  	v49 =	vld [tilespmem:s19+$0x60A0]  }
0x131: {  	v50 =	vld [tilespmem:s19+$0x6080]  }
0x132: {  	v51 =	vld [tilespmem:s19+$0x5080]  }
0x133: {  	s17 =	sadd.s32 $0x100, s17;
	v52 =	vld [tilespmem:s19+$0x6090]  }
0x134: {  	p0 =	sne.s32 s17, $0x4000;
	v53 =	vld [tilespmem:s19+$0x5090]  }
0x135: {  	v54 =	vld [tilespmem:s19+$0x50A0]  }
0x136: {  	v55 =	vld [tilespmem:s19+$0x7090]  }
0x137: {  	v56 =	vld [tilespmem:s19+$0x50B0]  }
0x138: {  	v57 =	vld [tilespmem:s19+$0x8090]  }
0x139: {  	v50 =	vadd.f32 v50, v51;
	v51 =	vadd.f32 v52, v53;
	v52 =	vld [tilespmem:s19+$0x70B0]  }
0x13a: {  	v49 =	vadd.f32 v49, v54;
	v53 =	vld [tilespmem:s19+$0x9090]  }
0x13b: {  	v48 =	vadd.f32 v48, v50;
	v50 =	vadd.f32 v55, v51;
	v51 =	vld [tilespmem:s19+$0x80B0]  }
0x13c: {  	v47 =	vadd.f32 v47, v56;
	v46 =	vadd.f32 v46, v49;
	v49 =	vld [tilespmem:s19+$0xA090]  }
0x13d: {  	v45 =	vadd.f32 v45, v48;
	v48 =	vadd.f32 v57, v50;
	v50 =	vld [tilespmem:s19+$0x90B0]  }
0x13e: {  	v47 =	vadd.f32 v52, v47;
	v44 =	vadd.f32 v44, v46;
	v46 =	vld [tilespmem:s19+$0xB090]  }
0x13f: {  	v43 =	vadd.f32 v43, v45;
	v45 =	vadd.f32 v53, v48;
	v48 =	vld [tilespmem:s19+$0xA0B0]  }
0x140: {  	v47 =	vadd.f32 v51, v47;
	v42 =	vadd.f32 v42, v44;
	v44 =	vld [tilespmem:s19+$0xC090]  }
0x141: {  	v41 =	vadd.f32 v41, v43;
	v43 =	vadd.f32 v49, v45;
	v45 =	vld [tilespmem:s19+$0xB0B0]  }
0x142: {  	v47 =	vadd.f32 v50, v47;
	v40 =	vadd.f32 v40, v42;
	v42 =	vld [tilespmem:s19+$0xD090]  }
0x143: {  	v39 =	vadd.f32 v39, v41;
	v41 =	vadd.f32 v46, v43;
	v43 =	vld [tilespmem:s19+$0xC0B0]  }
0x144: {  	v46 =	vadd.f32 v48, v47;
	v38 =	vadd.f32 v38, v40;
	v40 =	vld [tilespmem:s19+$0xE090]  }
0x145: {  	v37 =	vadd.f32 v37, v39;
	v39 =	vadd.f32 v44, v41;
	v41 =	vld [tilespmem:s19+$0xD0B0]  }
0x146: {  	v44 =	vadd.f32 v45, v46;
	v36 =	vadd.f32 v36, v38;
	v38 =	vld [tilespmem:s19+$0xF090]  }
0x147: {  	v35 =	vadd.f32 v35, v37;
	v37 =	vadd.f32 v42, v39;
	v39 =	vld [tilespmem:s19+$0xE0B0]  }
0x148: {  	v42 =	vadd.f32 v43, v44;
	v34 =	vadd.f32 v34, v36;
	v36 =	vld [tilespmem:s19+$0x10090]  }
0x149: {  	v33 =	vadd.f32 v33, v35;
	v35 =	vadd.f32 v40, v37;
	v37 =	vld [tilespmem:s19+$0xF0B0]  }
0x14a: {  	v40 =	vadd.f32 v41, v42;
	v32 =	vadd.f32 v32, v34;
	v34 =	vld [tilespmem:s19+$0x11090]  }
0x14b: {  	v31 =	vadd.f32 v31, v33;
	v33 =	vadd.f32 v38, v35;
	v35 =	vld [tilespmem:s19+$0x100B0]  }
0x14c: {  	v38 =	vadd.f32 v39, v40;
	v30 =	vadd.f32 v30, v32;
	v32 =	vld [tilespmem:s19+$0x12090]  }
0x14d: {  	v29 =	vadd.f32 v29, v31;
	v31 =	vadd.f32 v36, v33;
	v33 =	vld [tilespmem:s19+$0x110B0]  }
0x14e: {  	v36 =	vadd.f32 v37, v38;
	v28 =	vadd.f32 v28, v30;
	v30 =	vld [tilespmem:s19+$0x13090]  }
0x14f: {  	v27 =	vadd.f32 v27, v29;
	v29 =	vadd.f32 v34, v31;
	v31 =	vld [tilespmem:s19+$0x120B0]  }
0x150: {  	v34 =	vadd.f32 v35, v36;
	v26 =	vadd.f32 v26, v28;
	v28 =	vld [tilespmem:s19+$0x14090]  }
0x151: {  	v25 =	vadd.f32 v25, v27;
	v27 =	vadd.f32 v32, v29;
	v29 =	vld [tilespmem:s19+$0x130B0]  }
0x152: {  	v32 =	vadd.f32 v33, v34;
	v24 =	vadd.f32 v24, v26;
	v26 =	vld [tilespmem:s19+$0x15090]  }
0x153: {  	v23 =	vadd.f32 v23, v25;
	v25 =	vadd.f32 v30, v27;
	v27 =	vld [tilespmem:s19+$0x140B0]  }
0x154: {  	v30 =	vadd.f32 v31, v32;
	v22 =	vadd.f32 v22, v24;
	v24 =	vld [tilespmem:s19+$0x16090]  }
0x155: {  	v21 =	vadd.f32 v21, v23;
	v23 =	vadd.f32 v28, v25;
	v25 =	vld [tilespmem:s19+$0x150B0]  }
0x156: {  	v28 =	vadd.f32 v29, v30;
	v20 =	vadd.f32 v20, v22;
	v22 =	vld [tilespmem:s19+$0x17090]  }
0x157: {  	v19 =	vadd.f32 v19, v21;
	v21 =	vadd.f32 v26, v23;
	v23 =	vld [tilespmem:s19+$0x160B0]  }
0x158: {  	v26 =	vld [tilespmem:s19+$0x3080];
	v27 =	vadd.f32 v27, v28;
	v18 =	vadd.f32 v18, v20  }
0x159: {  	v17 =	vadd.f32 v17, v19;
	v20 =	vld [tilespmem:s19+$0x3090];
	v19 =	vadd.f32 v24, v21  }
0x15a: {  	v21 =	vadd.f32 v25, v27;
	v16 =	vadd.f32 v16, v18;
	v18 =	vld [tilespmem:s19+$0x180A0]  }
0x15b: {  	v15 =	vadd.f32 v15, v17;
	v24 =	vld [tilespmem:s19+$0x30A0];
	v17 =	vadd.f32 v22, v19  }
0x15c: {  	v19 =	vadd.f32 v23, v21;
	v14 =	vadd.f32 v14, v16;
	v16 =	vld [tilespmem:s19+$0x180B0]  }
0x15d: {  	v12 =	vadd.f32 v12, v15;
	v21 =	vld [tilespmem:s19+$0x30B0];
	v13 =	vadd.f32 v13, v17  }
0x15e: {  	v10 =	vmul.f32 v10, v26;
	v11 =	vmul.f32 v11, v20;
	v9 =	vadd.f32 v9, v19  }
0x15f: {  	v12 =	vmul.f32 v12, v26;
	v14 =	vadd.f32 v18, v14;
	v13 =	vmul.f32 v13, v20  }
0x160: {  	v10 =	vadd.f32 v11, v10;
	v8 =	vmul.f32 v8, v24  }
0x161: {  	v9 =	vadd.f32 v16, v9;
	v11 =	vadd.f32 v13, v12;
	v12 =	vmul.f32 v14, v24  }
0x162: {  	v8 =	vadd.f32 v8, v10;
	v7 =	vmul.f32 v7, v21  }
0x163: {  	v10 =	vadd.f32 v12, v11;
	v9 =	vmul.f32 v9, v21  }
0x164: {  	v7 =	vadd.f32 v7, v8  }
0x165: {  	v8 =	vadd.f32 v9, v10  }
0x166: {  	v9 =	vperm.xlane v7, v1  }
0x167: {  	v10 =	vperm.xlane v8, v1  }
0x168: {  	v7 =	vadd.f32 v9, v7  }
0x169: {  	v8 =	vadd.f32 v10, v8  }
0x16a: {  	v9 =	vperm.xlane v7, v2  }
0x16b: {  	v10 =	vperm.xlane v8, v2  }
0x16c: {  	v7 =	vadd.f32 v9, v7  }
0x16d: {  	v8 =	vadd.f32 v10, v8  }
0x16e: {  	v9 =	vperm.xlane v7, v3  }
0x16f: {  	v10 =	vperm.xlane v8, v3  }
0x170: {  	v7 =	vadd.f32 v9, v7  }
0x171: {  	v8 =	vadd.f32 v10, v8  }
0x172: {  	s14 =	sadd.s32 $0x1, s14;
	v9 =	vperm.xlane v7, v4  }
.Ltmp0:
0x173: {  	s19 =	sand.u32 $0xF, s14;
	v10 =	vperm.xlane v8, v4;
	(pc) =	sbr.rel @p0 .LBB2_3-.Ltmp0, $4  }
0x174: {  	v11 =	vmov s19;
	v7 =	vadd.f32 v9, v7  }
0x175: {  	vm0 =	veq.s32 v11, v0;
	v8 =	vadd.f32 v10, v8  }
0x176: {  	s2 =	sadd.s32 $0x1, s2;
	p1 =	sne.s32 s19, $0xF;
	v6 =	vsel vm0, v7, v6  }
0x177: {  	s1 =	sadd.s32 $0x1, s1;
	v5 =	vsel vm0, v8, v5;
	[tilespmem:s2+$0x0] =	vst @!p1 v6  }
0x178: {  	s13 =	sadd.s32 $0x1, s13  }
0x179: {  	p0 =	sne.s32 s13, $0x8  }
.Ltmp1:
0x17a: {  	_ = 	snop;
	(pc) =	sbr.rel @p0 .LBB2_2-.Ltmp1, $2  }
0x17b: {  	_ =	sdelay $0x2  }
0x17c: {  	[tilespmem:s1+$0x0] =	vst @!p1 v5;
	s15 =	sadd.s32 $0x40, s15;
	s18 =	sadd.s32 $0x40, s18  }
0x17d: {  	s1 =	simm.s32 $0x0;
	s2 =	rddreg [dreg:$0x5];
	s13 =	simm.s32 $0x19080  }
0x17e: {  	[hbm4b:s2+s1] =	stream.linear.scatter [tilespmem:s13], [sflag:$0x3], $0x200, $0x38;
	[tilespmem:$0x19480] =	vst v63  }
0x17f: {  	_ =	swait.ge [sflag:s21], $0x200  }
0x180: {  	[sflag:s21] =	ssyncset.done $0x0  }
0x181: {  	s17 =	simm.s32 $0x19280;
	s15 =	rddreg [dreg:$0x6];
	[sflag:s21] =	ssyncadd.s32 $0xFFFFFE00  }
0x182: {  	[hbm4b:s15+s1] =	stream.linear.scatter [tilespmem:s17], [sflag:$0x3], $0x200, $0x38;
	[tilespmem:$0x19480] =	vst v63  }
0x183: {  	_ =	swait.ge [sflag:s21], $0x200  }
0x184: {  	s18 =	rddreg [dreg:$0x8]  }
0x185: {  	s19 =	rddreg [dreg:$0x7];
	s2 =	sadd.s32 $0x1, s18  }
0x186: {  	p0 =	sne.s32 s2, s19  }
.Ltmp2:
0x187: {  	_ = 	snop;
	(pc) =	sbr.rel @p0 .LBB2_1-.Ltmp2, $3  }
0x188: {  	_ =	sdelay $0x1  }
0x189: {  	[sflag:s21] =	ssyncset.done $0x0  }
0x18a: {  	[sflag:s21] =	ssyncadd.s32 $0xFFFFFE00  }
0x18b: {  	_ =	sfence.sel $0x180000  }
0x18c: {  	[bflag:$0x0] =	sbarrier.arrive $0xFFFF  }
0x18d: {  	_ =	strace $0x90000047  }
0x18e: {  	s0 =	stileid.u32;
	[bflag:$0x2] =	sbarrier.arrive $0xFFFF  }
0x18f: {  	p0 =	sne.s32 s0, $0x0;
	s0 =	rddreg [dreg:$0x3]  }
0x190: {  	s0 =	sadd.s32 @!p0 $0x100000, s0  }
0x191: {  	[sflag:s0] =	ssyncadd.tile.s32 @!p0 $0x1;
	_ =	shalt  }
.Lfunc_end2:
_tile_overlayer_lowered:
.L_overlay_start_2:
0x192: {  	(tag) =	ssettag $0x2  }
0x193: {  	s0 =	rddreg [dreg:$0x0];
	s2 =	stileid.u32  }
0x194: {  	s1 =	rddreg [dreg:$0x1];
	p0 =	sne.s32 s2, $0x0  }
0x195: {  	s3 =	rddreg [dreg:$0x2];
	[bflag:$0x3] =	sbarrier.arrive $0xFFFF;
	s2 =	simm.s32 @!p0 $0x1C03  }
0x196: {  	[timem:s3], [sflag:s2] =	dma.local @!p0 [hbm:s0], s1  }
0x197: {  	s0 =	simm.s32 @!p0 $0x3  }
0x198: {  	_ =	swait.ge @!p0 [sflag:s0], s1  }
0x199: {  	s1 =	ssub.s32 @!p0 $0x0, s1;
	[sflag:s0] =	ssyncset.done @!p0 $0x0  }
0x19a: {  	[sflag:s0] =	ssyncadd.s32 @!p0 s1  }
0x19b: {  	[bflag:$0x3] =	sbarrier.arrive $0xFFFF  }
0x19c: {  	_ =	shalt  }

</sc_bundles>
